<compile_context>
chip_gen: v7x
topology: tpu7x:2x2x1
jax: 0.10.2.dev20260603
libtpu: 0.0.44.dev20260713+nightly
codegen_flags: <defaults>
</compile_context>

<pallas_src>
import functools

import jax
import jax.numpy as jnp
from jax import lax
from jax.experimental import pallas as pl
from jax.experimental.pallas import tpu as pltpu
from jax.experimental.pallas import tpu_sc as plsc

_DIM = 64
_CTX = 4
_K = 6
_NC = 2
_NS = 16
_NW = _NC * _NS
_L = 16


def _dw_body(d_ref, w_ref, out_ref):
    out_ref[:, 0:_DIM] = d_ref[...].T
    out_ref[:, _DIM:128] = w_ref[...].T


def _interleave_dw(DT, WT, rows_out, cb):
    return pl.pallas_call(
        _dw_body,
        grid=(rows_out // cb,),
        in_specs=[pl.BlockSpec((_DIM, cb), lambda i: (0, i)),
                  pl.BlockSpec((_DIM, cb), lambda i: (0, i))],
        out_specs=pl.BlockSpec((cb, 128), lambda i: (i, 0)),
        out_shape=jax.ShapeDtypeStruct((rows_out, 128), jnp.float32),
    )(DT, WT)


def _transpose_body(wp_ref, out_ref):
    out_ref[:, 0:_DIM] = wp_ref[...].T


def _transpose_wp(WP, rows_out, cb):
    return pl.pallas_call(
        _transpose_body,
        grid=(rows_out // cb,),
        in_specs=[pl.BlockSpec((_DIM, cb), lambda i: (0, i))],
        out_specs=pl.BlockSpec((cb, 128), lambda i: (i, 0)),
        out_shape=jax.ShapeDtypeStruct((rows_out, 128), jnp.float32),
    )(WP)


def _make_h_call(B):
    bpw = B // _NW
    n_ctx_chunks = bpw * _CTX // 128
    bpc = 128 // _CTX
    mesh = plsc.VectorSubcoreMesh(core_axis_name="c", subcore_axis_name="s")

    @functools.partial(
        pl.kernel,
        mesh=mesh,
        compiler_params=pltpu.CompilerParams(
            needs_layout_passes=False, use_tc_tiling_on_sc=True),
        out_type=jax.ShapeDtypeStruct((B, 128), jnp.float32),
        scratch_types=[
            pltpu.VMEM((128,), jnp.int32),
            pltpu.VMEM((n_ctx_chunks * 128,), jnp.int32),
            pltpu.VMEM((bpw, 128), jnp.float32),
            pltpu.VMEM((128, 128), jnp.float32),
            pltpu.VMEM((128, 128), jnp.float32),
            pltpu.SemaphoreType.DMA,
            pltpu.SemaphoreType.DMA,
            pltpu.SemaphoreType.DMA,
        ],
    )
    def h_kernel(ctx_hbm, doc_hbm, dw_hbm, h_hbm,
                 doc_idx, ctx_idx, d_rows, wb0, wb1, sem_d, sem_w0, sem_w1):
        wid = lax.axis_index("s") * _NC + lax.axis_index("c")
        base = wid * bpw
        wbufs = (wb0, wb1)
        wsems = (sem_w0, sem_w1)

        pltpu.sync_copy(doc_hbm.at[pl.ds(base, bpw)], doc_idx)
        pltpu.sync_copy(
            ctx_hbm.at[pl.ds(wid * n_ctx_chunks * 128, n_ctx_chunks * 128)],
            ctx_idx)

        def start_w(c):
            return pltpu.async_copy(
                dw_hbm.at[ctx_idx.at[pl.ds(c * 128, 128)]],
                wbufs[c % 2], wsems[c % 2])

        cp_d = pltpu.async_copy(dw_hbm.at[doc_idx], d_rows, sem_d)
        cp_w = [start_w(0), start_w(1)]
        cp_d.wait()

        for c in range(n_ctx_chunks):
            cp_w[c].wait()
            wb = wbufs[c % 2]

            def hbody(bl, carry, c=c, wb=wb):
                b = c * bpc + bl
                for j in range(_DIM // _L):
                    h = d_rows[b, pl.ds(j * _L, _L)]
                    for cc in range(_CTX):
                        h = h + wb[bl * _CTX + cc, pl.ds(_DIM + j * _L, _L)]
                    d_rows[b, pl.ds(j * _L, _L)] = h
                return carry

            lax.fori_loop(0, bpc, hbody, 0)
            if c + 2 < n_ctx_chunks:
                cp_w.append(start_w(c + 2))

        pltpu.sync_copy(d_rows, h_hbm.at[pl.ds(base, bpw), :])

    return h_kernel


def _make_score_call(B):
    bpw = B // _NW
    n_tgt_chunks = bpw * _K // 128
    gpc = 128 // _L
    mesh = plsc.VectorSubcoreMesh(core_axis_name="c", subcore_axis_name="s")

    @functools.partial(
        pl.kernel,
        mesh=mesh,
        compiler_params=pltpu.CompilerParams(
            needs_layout_passes=False, use_tc_tiling_on_sc=True),
        out_type=jax.ShapeDtypeStruct((B * _K,), jnp.float32),
        scratch_types=[
            pltpu.VMEM((n_tgt_chunks * 128,), jnp.int32),
            pltpu.VMEM((bpw, 128), jnp.float32),
            pltpu.VMEM((128, 128), jnp.float32),
            pltpu.VMEM((128, 128), jnp.float32),
            pltpu.VMEM((bpw * _K,), jnp.float32),
            pltpu.SemaphoreType.DMA,
            pltpu.SemaphoreType.DMA,
        ],
    )
    def score_kernel(tgt_hbm, h_hbm, wpt_hbm, out_hbm,
                     tgt_idx, d_rows, pb0, pb1, out_v, sem_p0, sem_p1):
        wid = lax.axis_index("s") * _NC + lax.axis_index("c")
        base = wid * bpw
        pbufs = (pb0, pb1)
        psems = (sem_p0, sem_p1)

        pltpu.sync_copy(
            tgt_hbm.at[pl.ds(wid * n_tgt_chunks * 128, n_tgt_chunks * 128)],
            tgt_idx)

        def start_p(t):
            return pltpu.async_copy(
                wpt_hbm.at[tgt_idx.at[pl.ds(t * 128, 128)]],
                pbufs[t % 2], psems[t % 2])

        cp_p = [start_p(0), start_p(1)]
        pltpu.sync_copy(h_hbm.at[pl.ds(base, bpw), :], d_rows)

        last_lane = lax.iota(jnp.int32, _L) == _L - 1
        for t in range(n_tgt_chunks):
            cp_p[t].wait()
            pb = pbufs[t % 2]

            def obody(rl, carry, t=t, pb=pb):
                r = t * 128 + rl
                b = lax.div(r, _K)
                acc = d_rows[b, pl.ds(0, _L)] * pb[rl, pl.ds(0, _L)]
                for j in range(1, _DIM // _L):
                    acc = acc + (d_rows[b, pl.ds(j * _L, _L)]
                                 * pb[rl, pl.ds(j * _L, _L)])
                cs = jnp.cumsum(acc)
                plsc.store_scatter(out_v, [jnp.full((_L,), r, jnp.int32)],
                                   cs, mask=last_lane)
                return carry

            lax.fori_loop(0, 128, obody, 0)
            if t + 2 < n_tgt_chunks:
                cp_p.append(start_p(t + 2))

        pltpu.sync_copy(out_v, out_hbm.at[pl.ds(base * _K, bpw * _K)])

    return score_kernel


def kernel(ctxs, docs, targets, D, W, WP):
    B = ctxs.shape[0]
    cb = 2048

    def prep(t):
        n = t.shape[1]
        rows_out = ((n + cb - 1) // cb) * cb
        return _transpose_wp(t, rows_out, cb)

    ctx_flat = ctxs.reshape(-1)
    tgt_flat = targets.reshape(-1)
    n_rows = max(D.shape[0], W.shape[0])
    rows_out = ((n_rows + cb - 1) // cb) * cb
    DW2 = _interleave_dw(jnp.swapaxes(D, 0, 1), jnp.swapaxes(W, 0, 1),
                         rows_out, cb)
    WPT2 = prep(WP)
    h2 = _make_h_call(B)(ctx_flat, docs, DW2)
    out_flat = _make_score_call(B)(tgt_flat, h2, WPT2)
    return out_flat.reshape(B, _K)

# --- scband reference (transcript-rebuilt; emitter-appended) ---
"""Pipeline reference for scband-dmm-45878840656347 (READ-ONLY COPY).

The authoritative reference and input builder live on the scoring server;
editing this copy changes nothing except your own understanding.
"""

import jax, jax.numpy as jnp
import numpy as np

N_WORDS = 100000
N_DOCS = 100000
DIM = 64
B = 4096
CTX = 4
K = 6


def setup_inputs(seed: int = 0) -> dict:
    key = jax.random.key(seed)
    k1, k2, k3, k4, k5, k6 = jax.random.split(key, 6)
    ctxs = jax.random.randint(k1, (B, CTX), 0, N_WORDS + 1, dtype=jnp.int64 if jax.config.jax_enable_x64 else jnp.int32)
    docs = jax.random.randint(k2, (B,), 0, N_DOCS, dtype=jnp.int64 if jax.config.jax_enable_x64 else jnp.int32)
    targets = jax.random.randint(k3, (B, K), 0, N_WORDS + 1, dtype=jnp.int64 if jax.config.jax_enable_x64 else jnp.int32)
    D = jax.random.normal(k4, (N_DOCS, DIM), dtype=jnp.float32)
    W = jnp.concatenate([jax.random.normal(k5, (N_WORDS, DIM), dtype=jnp.float32), jnp.zeros((1, DIM), dtype=jnp.float32)], axis=0)
    WP = jnp.concatenate([jax.random.normal(k6, (DIM, N_WORDS), dtype=jnp.float32), jax.random.normal(jax.random.fold_in(key, 7), (DIM, 1), dtype=jnp.float32)], axis=1)
    return {"ctxs": ctxs, "docs": docs, "targets": targets, "D": D, "W": W, "WP": WP}


def reference(ctxs, docs, targets, D, W, WP):
    # h = D[docs, :] + sum(W[ctxs, :], dim=1)  -> [B, dim]
    h = jnp.take(D, docs, axis=0) + jnp.sum(jnp.take(W, ctxs, axis=0), axis=1)
    # WP[:, targets] -> [dim, B, K]; permute(1,0,2) -> [B, dim, K]
    wp = jnp.take(WP, targets, axis=1)
    wp = jnp.transpose(wp, (1, 0, 2))
    # bmm(h.unsqueeze(1), wp).squeeze() -> [B, K]
    out = jnp.einsum('bd,bdk->bk', h, wp)
    return out

if __name__ == "__main__":
    import jax
    _d = setup_inputs()
    print(jax.jit(kernel)(*tuple(_d.values())))

</pallas_src>

<mosaic_0001>
#map = affine_map<(d0, d1) -> (0)>
#map1 = affine_map<(d0, d1) -> (0, 0)>
module attributes {stable_mosaic.version = 14 : i64} {
  func.func @score_kernel(%arg0: i32, %arg1: i32, %arg2: memref<24576xi32, #tpu.memory_space<hbm>>, %arg3: memref<4096x128xf32, #tpu.memory_space<hbm>>, %arg4: memref<100352x128xf32, #tpu.memory_space<hbm>>, %arg5: memref<24576xf32, #tpu.memory_space<hbm>>, %arg6: memref<768xi32, #tpu.memory_space<vmem>>, %arg7: memref<128x128xf32, #tpu.memory_space<vmem>>, %arg8: memref<128x128xf32, #tpu.memory_space<vmem>>, %arg9: memref<128x128xf32, #tpu.memory_space<vmem>>, %arg10: memref<768xf32, #tpu.memory_space<vmem>>, %arg11: memref<!tpu.dma_semaphore, #tpu.memory_space<semaphore_mem>>, %arg12: memref<!tpu.dma_semaphore, #tpu.memory_space<semaphore_mem>>) attributes {dimension_semantics = [#tpu.dimension_semantics<core_parallel>, #tpu.dimension_semantics<subcore_parallel>], iteration_bounds = array<i64: 2, 16>, scalar_prefetch = 0 : i64, scratch_operands = 7 : i64, tpu.core_type = #tpu.core_type<sc_vector_subcore>, window_params = [{transform_indices = #map}, {transform_indices = #map1}, {transform_indices = #map1}, {transform_indices = #map}]} {
    %mul3A = arith.constant 2 : i32
    %mul3A_0 = arith.muli %arg1, %mul3A : i32
    %add3A = arith.addi %mul3A_0, %arg0 : i32
    %mul3A_1 = arith.constant 128 : i32
    %mul3A_2 = arith.muli %add3A, %mul3A_1 : i32
    %mul3A_3 = arith.constant 6 : i32
    %mul3A_4 = arith.muli %add3A, %mul3A_3 : i32
    %mul3A_5 = arith.constant 128 : i32
    %mul3A_6 = arith.muli %mul3A_4, %mul3A_5 : i32
    "tpu.region"() ({
      %run_scoped3A = tpu.sem_alloc : memref<!tpu.dma_semaphore, #tpu.memory_space<semaphore_mem>>
      %dma_start3A_104 = tpu.memref_slice %arg2[%mul3A_6] : memref<24576xi32, #tpu.memory_space<hbm>> -> memref<768xi32, #tpu.memory_space<hbm>>
      %dma_start3A_105 = tpu.memref_slice %arg2[%mul3A_6] : memref<24576xi32, #tpu.memory_space<hbm>> -> memref<768xi32, #tpu.memory_space<hbm>>
      tpu.enqueue_dma source(%dma_start3A_105 : memref<768xi32, #tpu.memory_space<hbm>>) target(%arg6 : memref<768xi32, #tpu.memory_space<vmem>>) target_semaphore(%run_scoped3A : memref<!tpu.dma_semaphore, #tpu.memory_space<semaphore_mem>>)
      %dma_wait3A_106 = tpu.memref_slice %arg2[%mul3A_6] : memref<24576xi32, #tpu.memory_space<hbm>> -> memref<768xi32, #tpu.memory_space<hbm>>
      %dma_wait3A_107 = tpu.memref_slice %arg2[%mul3A_6] : memref<24576xi32, #tpu.memory_space<hbm>> -> memref<768xi32, #tpu.memory_space<hbm>>
      tpu.wait_dma2 semaphore(%run_scoped3A : memref<!tpu.dma_semaphore, #tpu.memory_space<semaphore_mem>>) src(%dma_wait3A_107 : memref<768xi32, #tpu.memory_space<hbm>>) dst(%arg6 : memref<768xi32, #tpu.memory_space<vmem>>)
      tpu.yield
    }) : () -> ()
    %dma_start3A = arith.constant 0 : i32
    %dma_start3A_7 = tpu.memref_slice %arg6[%dma_start3A] : memref<768xi32, #tpu.memory_space<vmem>> -> memref<128xi32, #tpu.memory_space<vmem>>
    %dma_start3A_8 = arith.constant 0 : i32
    %dma_start3A_9 = arith.constant 0 : i32
    %dma_start3A_10 = tpu.memref_slice %arg4[%dma_start3A_8, %dma_start3A_9] : memref<100352x128xf32, #tpu.memory_space<hbm>> -> memref<100352x128xf32, #tpu.memory_space<hbm>>
    tpu.enqueue_indirect_dma source(%dma_start3A_10 : memref<100352x128xf32, #tpu.memory_space<hbm>>) target(%arg8 : memref<128x128xf32, #tpu.memory_space<vmem>>) offsets(%dma_start3A_7 : memref<128xi32, #tpu.memory_space<vmem>>) semaphore(%arg11 : memref<!tpu.dma_semaphore, #tpu.memory_space<semaphore_mem>>)
    %dma_start3A_11 = arith.constant 128 : i32
    %dma_start3A_12 = tpu.memref_slice %arg6[%dma_start3A_11] : memref<768xi32, #tpu.memory_space<vmem>> -> memref<128xi32, #tpu.memory_space<vmem>>
    %dma_start3A_13 = arith.constant 0 : i32
    %dma_start3A_14 = arith.constant 0 : i32
    %dma_start3A_15 = tpu.memref_slice %arg4[%dma_start3A_13, %dma_start3A_14] : memref<100352x128xf32, #tpu.memory_space<hbm>> -> memref<100352x128xf32, #tpu.memory_space<hbm>>
    tpu.enqueue_indirect_dma source(%dma_start3A_15 : memref<100352x128xf32, #tpu.memory_space<hbm>>) target(%arg9 : memref<128x128xf32, #tpu.memory_space<vmem>>) offsets(%dma_start3A_12 : memref<128xi32, #tpu.memory_space<vmem>>) semaphore(%arg12 : memref<!tpu.dma_semaphore, #tpu.memory_space<semaphore_mem>>)
    "tpu.region"() ({
      %run_scoped3A = tpu.sem_alloc : memref<!tpu.dma_semaphore, #tpu.memory_space<semaphore_mem>>
      %dma_start3A_104 = arith.constant 0 : i32
      %dma_start3A_105 = tpu.memref_slice %arg3[%mul3A_2, %dma_start3A_104] : memref<4096x128xf32, #tpu.memory_space<hbm>> -> memref<128x128xf32, #tpu.memory_space<hbm>>
      %dma_start3A_106 = arith.constant 0 : i32
      %dma_start3A_107 = tpu.memref_slice %arg3[%mul3A_2, %dma_start3A_106] : memref<4096x128xf32, #tpu.memory_space<hbm>> -> memref<128x128xf32, #tpu.memory_space<hbm>>
      tpu.enqueue_dma source(%dma_start3A_107 : memref<128x128xf32, #tpu.memory_space<hbm>>) target(%arg7 : memref<128x128xf32, #tpu.memory_space<vmem>>) target_semaphore(%run_scoped3A : memref<!tpu.dma_semaphore, #tpu.memory_space<semaphore_mem>>)
      %dma_wait3A_108 = arith.constant 0 : i32
      %dma_wait3A_109 = tpu.memref_slice %arg3[%mul3A_2, %dma_wait3A_108] : memref<4096x128xf32, #tpu.memory_space<hbm>> -> memref<128x128xf32, #tpu.memory_space<hbm>>
      %dma_wait3A_110 = arith.constant 0 : i32
      %dma_wait3A_111 = tpu.memref_slice %arg3[%mul3A_2, %dma_wait3A_110] : memref<4096x128xf32, #tpu.memory_space<hbm>> -> memref<128x128xf32, #tpu.memory_space<hbm>>
      tpu.wait_dma2 semaphore(%run_scoped3A : memref<!tpu.dma_semaphore, #tpu.memory_space<semaphore_mem>>) src(%dma_wait3A_111 : memref<128x128xf32, #tpu.memory_space<hbm>>) dst(%arg7 : memref<128x128xf32, #tpu.memory_space<vmem>>)
      tpu.yield
    }) : () -> ()
    %iota3A = tpu.iota {dimensions = array<i32: 0>} : vector<16xi32>
    %eq3A = arith.constant 15 : i32
    %eq3A_16 = vector.broadcast %eq3A : i32 to vector<16xi32>
    %eq3A_17 = arith.cmpi eq, %iota3A, %eq3A_16 : vector<16xi32>
    %dma_wait3A = arith.constant 0 : i32
    %dma_wait3A_18 = tpu.memref_slice %arg6[%dma_wait3A] : memref<768xi32, #tpu.memory_space<vmem>> -> memref<128xi32, #tpu.memory_space<vmem>>
    %dma_wait3A_19 = arith.constant 0 : i32
    %dma_wait3A_20 = arith.constant 0 : i32
    %dma_wait3A_21 = tpu.memref_slice %arg4[%dma_wait3A_19, %dma_wait3A_20] : memref<100352x128xf32, #tpu.memory_space<hbm>> -> memref<100352x128xf32, #tpu.memory_space<hbm>>
    tpu.wait_indirect_dma semaphore(%arg11 : memref<!tpu.dma_semaphore, #tpu.memory_space<semaphore_mem>>) src(%dma_wait3A_21 : memref<100352x128xf32, #tpu.memory_space<hbm>>) dst(%arg8 : memref<128x128xf32, #tpu.memory_space<vmem>>)
    %scan3A = arith.constant 0 : i32
    %scan3A_22 = arith.constant 0 : i32
    %scan3A_23 = arith.constant 128 : i32
    %scan3A_24 = arith.addi %scan3A_22, %scan3A_23 : i32
    %scan3A_25 = arith.constant 1 : i32
    scf.for %scan3A_104 = %scan3A_22 to %scan3A_24 step %scan3A_25  : i32 {
      %add3A_105 = arith.constant 0 : i32
      %add3A_106 = arith.addi %add3A_105, %scan3A_104 : i32
      %div3A = arith.constant 6 : i32
      %div3A_107 = arith.divsi %add3A_106, %div3A : i32
      %get3A = arith.index_cast %div3A_107 : i32 to index
      %get3A_108 = arith.constant 0 : index
      %get3A_109 = tpu.vector_load %arg7[%get3A, %get3A_108] {strides = array<i32>} : memref<128x128xf32, #tpu.memory_space<vmem>>, vector<16xf32>,
      %get3A_110 = arith.index_cast %scan3A_104 : i32 to index
      %get3A_111 = arith.constant 0 : index
      %get3A_112 = tpu.vector_load %arg8[%get3A_110, %get3A_111] {strides = array<i32>} : memref<128x128xf32, #tpu.memory_space<vmem>>, vector<16xf32>,
      %mul3A_113 = arith.mulf %get3A_109, %get3A_112 : vector<16xf32>
      %get3A_114 = arith.index_cast %div3A_107 : i32 to index
      %get3A_115 = arith.constant 16 : index
      %get3A_116 = tpu.vector_load %arg7[%get3A_114, %get3A_115] {strides = array<i32>} : memref<128x128xf32, #tpu.memory_space<vmem>>, vector<16xf32>,
      %get3A_117 = arith.index_cast %scan3A_104 : i32 to index
      %get3A_118 = arith.constant 16 : index
      %get3A_119 = tpu.vector_load %arg8[%get3A_117, %get3A_118] {strides = array<i32>} : memref<128x128xf32, #tpu.memory_space<vmem>>, vector<16xf32>,
      %mul3A_120 = arith.mulf %get3A_116, %get3A_119 : vector<16xf32>
      %add3A_121 = arith.addf %mul3A_113, %mul3A_120 : vector<16xf32>
      %get3A_122 = arith.index_cast %div3A_107 : i32 to index
      %get3A_123 = arith.constant 32 : index
      %get3A_124 = tpu.vector_load %arg7[%get3A_122, %get3A_123] {strides = array<i32>} : memref<128x128xf32, #tpu.memory_space<vmem>>, vector<16xf32>,
      %get3A_125 = arith.index_cast %scan3A_104 : i32 to index
      %get3A_126 = arith.constant 32 : index
      %get3A_127 = tpu.vector_load %arg8[%get3A_125, %get3A_126] {strides = array<i32>} : memref<128x128xf32, #tpu.memory_space<vmem>>, vector<16xf32>,
      %mul3A_128 = arith.mulf %get3A_124, %get3A_127 : vector<16xf32>
      %add3A_129 = arith.addf %add3A_121, %mul3A_128 : vector<16xf32>
      %get3A_130 = arith.index_cast %div3A_107 : i32 to index
      %get3A_131 = arith.constant 48 : index
      %get3A_132 = tpu.vector_load %arg7[%get3A_130, %get3A_131] {strides = array<i32>} : memref<128x128xf32, #tpu.memory_space<vmem>>, vector<16xf32>,
      %get3A_133 = arith.index_cast %scan3A_104 : i32 to index
      %get3A_134 = arith.constant 48 : index
      %get3A_135 = tpu.vector_load %arg8[%get3A_133, %get3A_134] {strides = array<i32>} : memref<128x128xf32, #tpu.memory_space<vmem>>, vector<16xf32>,
      %mul3A_136 = arith.mulf %get3A_132, %get3A_135 : vector<16xf32>
      %add3A_137 = arith.addf %add3A_129, %mul3A_136 : vector<16xf32>
      %cumsum3A = arith.constant true
      %cumsum3A_138 = vector.broadcast %cumsum3A : i1 to vector<16xi1>
      %cumsum3A_139 = tpu.scan <sum>, %add3A_137 masked %cumsum3A_138 : vector<16xf32>, vector<16xi1> -> vector<16xf32>
      %broadcast_in_dim3A = vector.broadcast %add3A_106 : i32 to vector<16xi32>
      tpu.vector_store_idx %arg10[%broadcast_in_dim3A], %cumsum3A_139 masked %eq3A_17 : memref<768xf32, #tpu.memory_space<vmem>>[vector<16xi32>], vector<16xf32>, vector<16xi1>
    }
    %scan3A_26 = arith.constant 128 : i32
    %dma_start3A_27 = arith.constant 256 : i32
    %dma_start3A_28 = tpu.memref_slice %arg6[%dma_start3A_27] : memref<768xi32, #tpu.memory_space<vmem>> -> memref<128xi32, #tpu.memory_space<vmem>>
    %dma_start3A_29 = arith.constant 0 : i32
    %dma_start3A_30 = arith.constant 0 : i32
    %dma_start3A_31 = tpu.memref_slice %arg4[%dma_start3A_29, %dma_start3A_30] : memref<100352x128xf32, #tpu.memory_space<hbm>> -> memref<100352x128xf32, #tpu.memory_space<hbm>>
    tpu.enqueue_indirect_dma source(%dma_start3A_31 : memref<100352x128xf32, #tpu.memory_space<hbm>>) target(%arg8 : memref<128x128xf32, #tpu.memory_space<vmem>>) offsets(%dma_start3A_28 : memref<128xi32, #tpu.memory_space<vmem>>) semaphore(%arg11 : memref<!tpu.dma_semaphore, #tpu.memory_space<semaphore_mem>>)
    %dma_wait3A_32 = arith.constant 128 : i32
    %dma_wait3A_33 = tpu.memref_slice %arg6[%dma_wait3A_32] : memref<768xi32, #tpu.memory_space<vmem>> -> memref<128xi32, #tpu.memory_space<vmem>>
    %dma_wait3A_34 = arith.constant 0 : i32
    %dma_wait3A_35 = arith.constant 0 : i32
    %dma_wait3A_36 = tpu.memref_slice %arg4[%dma_wait3A_34, %dma_wait3A_35] : memref<100352x128xf32, #tpu.memory_space<hbm>> -> memref<100352x128xf32, #tpu.memory_space<hbm>>
    tpu.wait_indirect_dma semaphore(%arg12 : memref<!tpu.dma_semaphore, #tpu.memory_space<semaphore_mem>>) src(%dma_wait3A_36 : memref<100352x128xf32, #tpu.memory_space<hbm>>) dst(%arg9 : memref<128x128xf32, #tpu.memory_space<vmem>>)
    %scan3A_37 = arith.constant 0 : i32
    %scan3A_38 = arith.constant 0 : i32
    %scan3A_39 = arith.constant 128 : i32
    %scan3A_40 = arith.addi %scan3A_38, %scan3A_39 : i32
    %scan3A_41 = arith.constant 1 : i32
    scf.for %scan3A_104 = %scan3A_38 to %scan3A_40 step %scan3A_41  : i32 {
      %add3A_105 = arith.constant 128 : i32
      %add3A_106 = arith.addi %add3A_105, %scan3A_104 : i32
      %div3A = arith.constant 6 : i32
      %div3A_107 = arith.divsi %add3A_106, %div3A : i32
      %get3A = arith.index_cast %div3A_107 : i32 to index
      %get3A_108 = arith.constant 0 : index
      %get3A_109 = tpu.vector_load %arg7[%get3A, %get3A_108] {strides = array<i32>} : memref<128x128xf32, #tpu.memory_space<vmem>>, vector<16xf32>,
      %get3A_110 = arith.index_cast %scan3A_104 : i32 to index
      %get3A_111 = arith.constant 0 : index
      %get3A_112 = tpu.vector_load %arg9[%get3A_110, %get3A_111] {strides = array<i32>} : memref<128x128xf32, #tpu.memory_space<vmem>>, vector<16xf32>,
      %mul3A_113 = arith.mulf %get3A_109, %get3A_112 : vector<16xf32>
      %get3A_114 = arith.index_cast %div3A_107 : i32 to index
      %get3A_115 = arith.constant 16 : index
      %get3A_116 = tpu.vector_load %arg7[%get3A_114, %get3A_115] {strides = array<i32>} : memref<128x128xf32, #tpu.memory_space<vmem>>, vector<16xf32>,
      %get3A_117 = arith.index_cast %scan3A_104 : i32 to index
      %get3A_118 = arith.constant 16 : index
      %get3A_119 = tpu.vector_load %arg9[%get3A_117, %get3A_118] {strides = array<i32>} : memref<128x128xf32, #tpu.memory_space<vmem>>, vector<16xf32>,
      %mul3A_120 = arith.mulf %get3A_116, %get3A_119 : vector<16xf32>
      %add3A_121 = arith.addf %mul3A_113, %mul3A_120 : vector<16xf32>
      %get3A_122 = arith.index_cast %div3A_107 : i32 to index
      %get3A_123 = arith.constant 32 : index
      %get3A_124 = tpu.vector_load %arg7[%get3A_122, %get3A_123] {strides = array<i32>} : memref<128x128xf32, #tpu.memory_space<vmem>>, vector<16xf32>,
      %get3A_125 = arith.index_cast %scan3A_104 : i32 to index
      %get3A_126 = arith.constant 32 : index
      %get3A_127 = tpu.vector_load %arg9[%get3A_125, %get3A_126] {strides = array<i32>} : memref<128x128xf32, #tpu.memory_space<vmem>>, vector<16xf32>,
      %mul3A_128 = arith.mulf %get3A_124, %get3A_127 : vector<16xf32>
      %add3A_129 = arith.addf %add3A_121, %mul3A_128 : vector<16xf32>
      %get3A_130 = arith.index_cast %div3A_107 : i32 to index
      %get3A_131 = arith.constant 48 : index
      %get3A_132 = tpu.vector_load %arg7[%get3A_130, %get3A_131] {strides = array<i32>} : memref<128x128xf32, #tpu.memory_space<vmem>>, vector<16xf32>,
      %get3A_133 = arith.index_cast %scan3A_104 : i32 to index
      %get3A_134 = arith.constant 48 : index
      %get3A_135 = tpu.vector_load %arg9[%get3A_133, %get3A_134] {strides = array<i32>} : memref<128x128xf32, #tpu.memory_space<vmem>>, vector<16xf32>,
      %mul3A_136 = arith.mulf %get3A_132, %get3A_135 : vector<16xf32>
      %add3A_137 = arith.addf %add3A_129, %mul3A_136 : vector<16xf32>
      %cumsum3A = arith.constant true
      %cumsum3A_138 = vector.broadcast %cumsum3A : i1 to vector<16xi1>
      %cumsum3A_139 = tpu.scan <sum>, %add3A_137 masked %cumsum3A_138 : vector<16xf32>, vector<16xi1> -> vector<16xf32>
      %broadcast_in_dim3A = vector.broadcast %add3A_106 : i32 to vector<16xi32>
      tpu.vector_store_idx %arg10[%broadcast_in_dim3A], %cumsum3A_139 masked %eq3A_17 : memref<768xf32, #tpu.memory_space<vmem>>[vector<16xi32>], vector<16xf32>, vector<16xi1>
    }
    %scan3A_42 = arith.constant 128 : i32
    %dma_start3A_43 = arith.constant 384 : i32
    %dma_start3A_44 = tpu.memref_slice %arg6[%dma_start3A_43] : memref<768xi32, #tpu.memory_space<vmem>> -> memref<128xi32, #tpu.memory_space<vmem>>
    %dma_start3A_45 = arith.constant 0 : i32
    %dma_start3A_46 = arith.constant 0 : i32
    %dma_start3A_47 = tpu.memref_slice %arg4[%dma_start3A_45, %dma_start3A_46] : memref<100352x128xf32, #tpu.memory_space<hbm>> -> memref<100352x128xf32, #tpu.memory_space<hbm>>
    tpu.enqueue_indirect_dma source(%dma_start3A_47 : memref<100352x128xf32, #tpu.memory_space<hbm>>) target(%arg9 : memref<128x128xf32, #tpu.memory_space<vmem>>) offsets(%dma_start3A_44 : memref<128xi32, #tpu.memory_space<vmem>>) semaphore(%arg12 : memref<!tpu.dma_semaphore, #tpu.memory_space<semaphore_mem>>)
    %dma_wait3A_48 = arith.constant 256 : i32
    %dma_wait3A_49 = tpu.memref_slice %arg6[%dma_wait3A_48] : memref<768xi32, #tpu.memory_space<vmem>> -> memref<128xi32, #tpu.memory_space<vmem>>
    %dma_wait3A_50 = arith.constant 0 : i32
    %dma_wait3A_51 = arith.constant 0 : i32
    %dma_wait3A_52 = tpu.memref_slice %arg4[%dma_wait3A_50, %dma_wait3A_51] : memref<100352x128xf32, #tpu.memory_space<hbm>> -> memref<100352x128xf32, #tpu.memory_space<hbm>>
    tpu.wait_indirect_dma semaphore(%arg11 : memref<!tpu.dma_semaphore, #tpu.memory_space<semaphore_mem>>) src(%dma_wait3A_52 : memref<100352x128xf32, #tpu.memory_space<hbm>>) dst(%arg8 : memref<128x128xf32, #tpu.memory_space<vmem>>)
    %scan3A_53 = arith.constant 0 : i32
    %scan3A_54 = arith.constant 0 : i32
    %scan3A_55 = arith.constant 128 : i32
    %scan3A_56 = arith.addi %scan3A_54, %scan3A_55 : i32
    %scan3A_57 = arith.constant 1 : i32
    scf.for %scan3A_104 = %scan3A_54 to %scan3A_56 step %scan3A_57  : i32 {
      %add3A_105 = arith.constant 256 : i32
      %add3A_106 = arith.addi %add3A_105, %scan3A_104 : i32
      %div3A = arith.constant 6 : i32
      %div3A_107 = arith.divsi %add3A_106, %div3A : i32
      %get3A = arith.index_cast %div3A_107 : i32 to index
      %get3A_108 = arith.constant 0 : index
      %get3A_109 = tpu.vector_load %arg7[%get3A, %get3A_108] {strides = array<i32>} : memref<128x128xf32, #tpu.memory_space<vmem>>, vector<16xf32>,
      %get3A_110 = arith.index_cast %scan3A_104 : i32 to index
      %get3A_111 = arith.constant 0 : index
      %get3A_112 = tpu.vector_load %arg8[%get3A_110, %get3A_111] {strides = array<i32>} : memref<128x128xf32, #tpu.memory_space<vmem>>, vector<16xf32>,
      %mul3A_113 = arith.mulf %get3A_109, %get3A_112 : vector<16xf32>
      %get3A_114 = arith.index_cast %div3A_107 : i32 to index
      %get3A_115 = arith.constant 16 : index
      %get3A_116 = tpu.vector_load %arg7[%get3A_114, %get3A_115] {strides = array<i32>} : memref<128x128xf32, #tpu.memory_space<vmem>>, vector<16xf32>,
      %get3A_117 = arith.index_cast %scan3A_104 : i32 to index
      %get3A_118 = arith.constant 16 : index
      %get3A_119 = tpu.vector_load %arg8[%get3A_117, %get3A_118] {strides = array<i32>} : memref<128x128xf32, #tpu.memory_space<vmem>>, vector<16xf32>,
      %mul3A_120 = arith.mulf %get3A_116, %get3A_119 : vector<16xf32>
      %add3A_121 = arith.addf %mul3A_113, %mul3A_120 : vector<16xf32>
      %get3A_122 = arith.index_cast %div3A_107 : i32 to index
      %get3A_123 = arith.constant 32 : index
      %get3A_124 = tpu.vector_load %arg7[%get3A_122, %get3A_123] {strides = array<i32>} : memref<128x128xf32, #tpu.memory_space<vmem>>, vector<16xf32>,
      %get3A_125 = arith.index_cast %scan3A_104 : i32 to index
      %get3A_126 = arith.constant 32 : index
      %get3A_127 = tpu.vector_load %arg8[%get3A_125, %get3A_126] {strides = array<i32>} : memref<128x128xf32, #tpu.memory_space<vmem>>, vector<16xf32>,
      %mul3A_128 = arith.mulf %get3A_124, %get3A_127 : vector<16xf32>
      %add3A_129 = arith.addf %add3A_121, %mul3A_128 : vector<16xf32>
      %get3A_130 = arith.index_cast %div3A_107 : i32 to index
      %get3A_131 = arith.constant 48 : index
      %get3A_132 = tpu.vector_load %arg7[%get3A_130, %get3A_131] {strides = array<i32>} : memref<128x128xf32, #tpu.memory_space<vmem>>, vector<16xf32>,
      %get3A_133 = arith.index_cast %scan3A_104 : i32 to index
      %get3A_134 = arith.constant 48 : index
      %get3A_135 = tpu.vector_load %arg8[%get3A_133, %get3A_134] {strides = array<i32>} : memref<128x128xf32, #tpu.memory_space<vmem>>, vector<16xf32>,
      %mul3A_136 = arith.mulf %get3A_132, %get3A_135 : vector<16xf32>
      %add3A_137 = arith.addf %add3A_129, %mul3A_136 : vector<16xf32>
      %cumsum3A = arith.constant true
      %cumsum3A_138 = vector.broadcast %cumsum3A : i1 to vector<16xi1>
      %cumsum3A_139 = tpu.scan <sum>, %add3A_137 masked %cumsum3A_138 : vector<16xf32>, vector<16xi1> -> vector<16xf32>
      %broadcast_in_dim3A = vector.broadcast %add3A_106 : i32 to vector<16xi32>
      tpu.vector_store_idx %arg10[%broadcast_in_dim3A], %cumsum3A_139 masked %eq3A_17 : memref<768xf32, #tpu.memory_space<vmem>>[vector<16xi32>], vector<16xf32>, vector<16xi1>
    }
    %scan3A_58 = arith.constant 128 : i32
    %dma_start3A_59 = arith.constant 512 : i32
    %dma_start3A_60 = tpu.memref_slice %arg6[%dma_start3A_59] : memref<768xi32, #tpu.memory_space<vmem>> -> memref<128xi32, #tpu.memory_space<vmem>>
    %dma_start3A_61 = arith.constant 0 : i32
    %dma_start3A_62 = arith.constant 0 : i32
    %dma_start3A_63 = tpu.memref_slice %arg4[%dma_start3A_61, %dma_start3A_62] : memref<100352x128xf32, #tpu.memory_space<hbm>> -> memref<100352x128xf32, #tpu.memory_space<hbm>>
    tpu.enqueue_indirect_dma source(%dma_start3A_63 : memref<100352x128xf32, #tpu.memory_space<hbm>>) target(%arg8 : memref<128x128xf32, #tpu.memory_space<vmem>>) offsets(%dma_start3A_60 : memref<128xi32, #tpu.memory_space<vmem>>) semaphore(%arg11 : memref<!tpu.dma_semaphore, #tpu.memory_space<semaphore_mem>>)
    %dma_wait3A_64 = arith.constant 384 : i32
    %dma_wait3A_65 = tpu.memref_slice %arg6[%dma_wait3A_64] : memref<768xi32, #tpu.memory_space<vmem>> -> memref<128xi32, #tpu.memory_space<vmem>>
    %dma_wait3A_66 = arith.constant 0 : i32
    %dma_wait3A_67 = arith.constant 0 : i32
    %dma_wait3A_68 = tpu.memref_slice %arg4[%dma_wait3A_66, %dma_wait3A_67] : memref<100352x128xf32, #tpu.memory_space<hbm>> -> memref<100352x128xf32, #tpu.memory_space<hbm>>
    tpu.wait_indirect_dma semaphore(%arg12 : memref<!tpu.dma_semaphore, #tpu.memory_space<semaphore_mem>>) src(%dma_wait3A_68 : memref<100352x128xf32, #tpu.memory_space<hbm>>) dst(%arg9 : memref<128x128xf32, #tpu.memory_space<vmem>>)
    %scan3A_69 = arith.constant 0 : i32
    %scan3A_70 = arith.constant 0 : i32
    %scan3A_71 = arith.constant 128 : i32
    %scan3A_72 = arith.addi %scan3A_70, %scan3A_71 : i32
    %scan3A_73 = arith.constant 1 : i32
    scf.for %scan3A_104 = %scan3A_70 to %scan3A_72 step %scan3A_73  : i32 {
      %add3A_105 = arith.constant 384 : i32
      %add3A_106 = arith.addi %add3A_105, %scan3A_104 : i32
      %div3A = arith.constant 6 : i32
      %div3A_107 = arith.divsi %add3A_106, %div3A : i32
      %get3A = arith.index_cast %div3A_107 : i32 to index
      %get3A_108 = arith.constant 0 : index
      %get3A_109 = tpu.vector_load %arg7[%get3A, %get3A_108] {strides = array<i32>} : memref<128x128xf32, #tpu.memory_space<vmem>>, vector<16xf32>,
      %get3A_110 = arith.index_cast %scan3A_104 : i32 to index
      %get3A_111 = arith.constant 0 : index
      %get3A_112 = tpu.vector_load %arg9[%get3A_110, %get3A_111] {strides = array<i32>} : memref<128x128xf32, #tpu.memory_space<vmem>>, vector<16xf32>,
      %mul3A_113 = arith.mulf %get3A_109, %get3A_112 : vector<16xf32>
      %get3A_114 = arith.index_cast %div3A_107 : i32 to index
      %get3A_115 = arith.constant 16 : index
      %get3A_116 = tpu.vector_load %arg7[%get3A_114, %get3A_115] {strides = array<i32>} : memref<128x128xf32, #tpu.memory_space<vmem>>, vector<16xf32>,
      %get3A_117 = arith.index_cast %scan3A_104 : i32 to index
      %get3A_118 = arith.constant 16 : index
      %get3A_119 = tpu.vector_load %arg9[%get3A_117, %get3A_118] {strides = array<i32>} : memref<128x128xf32, #tpu.memory_space<vmem>>, vector<16xf32>,
      %mul3A_120 = arith.mulf %get3A_116, %get3A_119 : vector<16xf32>
      %add3A_121 = arith.addf %mul3A_113, %mul3A_120 : vector<16xf32>
      %get3A_122 = arith.index_cast %div3A_107 : i32 to index
      %get3A_123 = arith.constant 32 : index
      %get3A_124 = tpu.vector_load %arg7[%get3A_122, %get3A_123] {strides = array<i32>} : memref<128x128xf32, #tpu.memory_space<vmem>>, vector<16xf32>,
      %get3A_125 = arith.index_cast %scan3A_104 : i32 to index
      %get3A_126 = arith.constant 32 : index
      %get3A_127 = tpu.vector_load %arg9[%get3A_125, %get3A_126] {strides = array<i32>} : memref<128x128xf32, #tpu.memory_space<vmem>>, vector<16xf32>,
      %mul3A_128 = arith.mulf %get3A_124, %get3A_127 : vector<16xf32>
      %add3A_129 = arith.addf %add3A_121, %mul3A_128 : vector<16xf32>
      %get3A_130 = arith.index_cast %div3A_107 : i32 to index
      %get3A_131 = arith.constant 48 : index
      %get3A_132 = tpu.vector_load %arg7[%get3A_130, %get3A_131] {strides = array<i32>} : memref<128x128xf32, #tpu.memory_space<vmem>>, vector<16xf32>,
      %get3A_133 = arith.index_cast %scan3A_104 : i32 to index
      %get3A_134 = arith.constant 48 : index
      %get3A_135 = tpu.vector_load %arg9[%get3A_133, %get3A_134] {strides = array<i32>} : memref<128x128xf32, #tpu.memory_space<vmem>>, vector<16xf32>,
      %mul3A_136 = arith.mulf %get3A_132, %get3A_135 : vector<16xf32>
      %add3A_137 = arith.addf %add3A_129, %mul3A_136 : vector<16xf32>
      %cumsum3A = arith.constant true
      %cumsum3A_138 = vector.broadcast %cumsum3A : i1 to vector<16xi1>
      %cumsum3A_139 = tpu.scan <sum>, %add3A_137 masked %cumsum3A_138 : vector<16xf32>, vector<16xi1> -> vector<16xf32>
      %broadcast_in_dim3A = vector.broadcast %add3A_106 : i32 to vector<16xi32>
      tpu.vector_store_idx %arg10[%broadcast_in_dim3A], %cumsum3A_139 masked %eq3A_17 : memref<768xf32, #tpu.memory_space<vmem>>[vector<16xi32>], vector<16xf32>, vector<16xi1>
    }
    %scan3A_74 = arith.constant 128 : i32
    %dma_start3A_75 = arith.constant 640 : i32
    %dma_start3A_76 = tpu.memref_slice %arg6[%dma_start3A_75] : memref<768xi32, #tpu.memory_space<vmem>> -> memref<128xi32, #tpu.memory_space<vmem>>
    %dma_start3A_77 = arith.constant 0 : i32
    %dma_start3A_78 = arith.constant 0 : i32
    %dma_start3A_79 = tpu.memref_slice %arg4[%dma_start3A_77, %dma_start3A_78] : memref<100352x128xf32, #tpu.memory_space<hbm>> -> memref<100352x128xf32, #tpu.memory_space<hbm>>
    tpu.enqueue_indirect_dma source(%dma_start3A_79 : memref<100352x128xf32, #tpu.memory_space<hbm>>) target(%arg9 : memref<128x128xf32, #tpu.memory_space<vmem>>) offsets(%dma_start3A_76 : memref<128xi32, #tpu.memory_space<vmem>>) semaphore(%arg12 : memref<!tpu.dma_semaphore, #tpu.memory_space<semaphore_mem>>)
    %dma_wait3A_80 = arith.constant 512 : i32
    %dma_wait3A_81 = tpu.memref_slice %arg6[%dma_wait3A_80] : memref<768xi32, #tpu.memory_space<vmem>> -> memref<128xi32, #tpu.memory_space<vmem>>
    %dma_wait3A_82 = arith.constant 0 : i32
    %dma_wait3A_83 = arith.constant 0 : i32
    %dma_wait3A_84 = tpu.memref_slice %arg4[%dma_wait3A_82, %dma_wait3A_83] : memref<100352x128xf32, #tpu.memory_space<hbm>> -> memref<100352x128xf32, #tpu.memory_space<hbm>>
    tpu.wait_indirect_dma semaphore(%arg11 : memref<!tpu.dma_semaphore, #tpu.memory_space<semaphore_mem>>) src(%dma_wait3A_84 : memref<100352x128xf32, #tpu.memory_space<hbm>>) dst(%arg8 : memref<128x128xf32, #tpu.memory_space<vmem>>)
    %scan3A_85 = arith.constant 0 : i32
    %scan3A_86 = arith.constant 0 : i32
    %scan3A_87 = arith.constant 128 : i32
    %scan3A_88 = arith.addi %scan3A_86, %scan3A_87 : i32
    %scan3A_89 = arith.constant 1 : i32
    scf.for %scan3A_104 = %scan3A_86 to %scan3A_88 step %scan3A_89  : i32 {
      %add3A_105 = arith.constant 512 : i32
      %add3A_106 = arith.addi %add3A_105, %scan3A_104 : i32
      %div3A = arith.constant 6 : i32
      %div3A_107 = arith.divsi %add3A_106, %div3A : i32
      %get3A = arith.index_cast %div3A_107 : i32 to index
      %get3A_108 = arith.constant 0 : index
      %get3A_109 = tpu.vector_load %arg7[%get3A, %get3A_108] {strides = array<i32>} : memref<128x128xf32, #tpu.memory_space<vmem>>, vector<16xf32>,
      %get3A_110 = arith.index_cast %scan3A_104 : i32 to index
      %get3A_111 = arith.constant 0 : index
      %get3A_112 = tpu.vector_load %arg8[%get3A_110, %get3A_111] {strides = array<i32>} : memref<128x128xf32, #tpu.memory_space<vmem>>, vector<16xf32>,
      %mul3A_113 = arith.mulf %get3A_109, %get3A_112 : vector<16xf32>
      %get3A_114 = arith.index_cast %div3A_107 : i32 to index
      %get3A_115 = arith.constant 16 : index
      %get3A_116 = tpu.vector_load %arg7[%get3A_114, %get3A_115] {strides = array<i32>} : memref<128x128xf32, #tpu.memory_space<vmem>>, vector<16xf32>,
      %get3A_117 = arith.index_cast %scan3A_104 : i32 to index
      %get3A_118 = arith.constant 16 : index
      %get3A_119 = tpu.vector_load %arg8[%get3A_117, %get3A_118] {strides = array<i32>} : memref<128x128xf32, #tpu.memory_space<vmem>>, vector<16xf32>,
      %mul3A_120 = arith.mulf %get3A_116, %get3A_119 : vector<16xf32>
      %add3A_121 = arith.addf %mul3A_113, %mul3A_120 : vector<16xf32>
      %get3A_122 = arith.index_cast %div3A_107 : i32 to index
      %get3A_123 = arith.constant 32 : index
      %get3A_124 = tpu.vector_load %arg7[%get3A_122, %get3A_123] {strides = array<i32>} : memref<128x128xf32, #tpu.memory_space<vmem>>, vector<16xf32>,
      %get3A_125 = arith.index_cast %scan3A_104 : i32 to index
      %get3A_126 = arith.constant 32 : index
      %get3A_127 = tpu.vector_load %arg8[%get3A_125, %get3A_126] {strides = array<i32>} : memref<128x128xf32, #tpu.memory_space<vmem>>, vector<16xf32>,
      %mul3A_128 = arith.mulf %get3A_124, %get3A_127 : vector<16xf32>
      %add3A_129 = arith.addf %add3A_121, %mul3A_128 : vector<16xf32>
      %get3A_130 = arith.index_cast %div3A_107 : i32 to index
      %get3A_131 = arith.constant 48 : index
      %get3A_132 = tpu.vector_load %arg7[%get3A_130, %get3A_131] {strides = array<i32>} : memref<128x128xf32, #tpu.memory_space<vmem>>, vector<16xf32>,
      %get3A_133 = arith.index_cast %scan3A_104 : i32 to index
      %get3A_134 = arith.constant 48 : index
      %get3A_135 = tpu.vector_load %arg8[%get3A_133, %get3A_134] {strides = array<i32>} : memref<128x128xf32, #tpu.memory_space<vmem>>, vector<16xf32>,
      %mul3A_136 = arith.mulf %get3A_132, %get3A_135 : vector<16xf32>
      %add3A_137 = arith.addf %add3A_129, %mul3A_136 : vector<16xf32>
      %cumsum3A = arith.constant true
      %cumsum3A_138 = vector.broadcast %cumsum3A : i1 to vector<16xi1>
      %cumsum3A_139 = tpu.scan <sum>, %add3A_137 masked %cumsum3A_138 : vector<16xf32>, vector<16xi1> -> vector<16xf32>
      %broadcast_in_dim3A = vector.broadcast %add3A_106 : i32 to vector<16xi32>
      tpu.vector_store_idx %arg10[%broadcast_in_dim3A], %cumsum3A_139 masked %eq3A_17 : memref<768xf32, #tpu.memory_space<vmem>>[vector<16xi32>], vector<16xf32>, vector<16xi1>
    }
    %scan3A_90 = arith.constant 128 : i32
    %dma_wait3A_91 = arith.constant 640 : i32
    %dma_wait3A_92 = tpu.memref_slice %arg6[%dma_wait3A_91] : memref<768xi32, #tpu.memory_space<vmem>> -> memref<128xi32, #tpu.memory_space<vmem>>
    %dma_wait3A_93 = arith.constant 0 : i32
    %dma_wait3A_94 = arith.constant 0 : i32
    %dma_wait3A_95 = tpu.memref_slice %arg4[%dma_wait3A_93, %dma_wait3A_94] : memref<100352x128xf32, #tpu.memory_space<hbm>> -> memref<100352x128xf32, #tpu.memory_space<hbm>>
    tpu.wait_indirect_dma semaphore(%arg12 : memref<!tpu.dma_semaphore, #tpu.memory_space<semaphore_mem>>) src(%dma_wait3A_95 : memref<100352x128xf32, #tpu.memory_space<hbm>>) dst(%arg9 : memref<128x128xf32, #tpu.memory_space<vmem>>)
    %scan3A_96 = arith.constant 0 : i32
    %scan3A_97 = arith.constant 0 : i32
    %scan3A_98 = arith.constant 128 : i32
    %scan3A_99 = arith.addi %scan3A_97, %scan3A_98 : i32
    %scan3A_100 = arith.constant 1 : i32
    scf.for %scan3A_104 = %scan3A_97 to %scan3A_99 step %scan3A_100  : i32 {
      %add3A_105 = arith.constant 640 : i32
      %add3A_106 = arith.addi %add3A_105, %scan3A_104 : i32
      %div3A = arith.constant 6 : i32
      %div3A_107 = arith.divsi %add3A_106, %div3A : i32
      %get3A = arith.index_cast %div3A_107 : i32 to index
      %get3A_108 = arith.constant 0 : index
      %get3A_109 = tpu.vector_load %arg7[%get3A, %get3A_108] {strides = array<i32>} : memref<128x128xf32, #tpu.memory_space<vmem>>, vector<16xf32>,
      %get3A_110 = arith.index_cast %scan3A_104 : i32 to index
      %get3A_111 = arith.constant 0 : index
      %get3A_112 = tpu.vector_load %arg9[%get3A_110, %get3A_111] {strides = array<i32>} : memref<128x128xf32, #tpu.memory_space<vmem>>, vector<16xf32>,
      %mul3A_113 = arith.mulf %get3A_109, %get3A_112 : vector<16xf32>
      %get3A_114 = arith.index_cast %div3A_107 : i32 to index
      %get3A_115 = arith.constant 16 : index
      %get3A_116 = tpu.vector_load %arg7[%get3A_114, %get3A_115] {strides = array<i32>} : memref<128x128xf32, #tpu.memory_space<vmem>>, vector<16xf32>,
      %get3A_117 = arith.index_cast %scan3A_104 : i32 to index
      %get3A_118 = arith.constant 16 : index
      %get3A_119 = tpu.vector_load %arg9[%get3A_117, %get3A_118] {strides = array<i32>} : memref<128x128xf32, #tpu.memory_space<vmem>>, vector<16xf32>,
      %mul3A_120 = arith.mulf %get3A_116, %get3A_119 : vector<16xf32>
      %add3A_121 = arith.addf %mul3A_113, %mul3A_120 : vector<16xf32>
      %get3A_122 = arith.index_cast %div3A_107 : i32 to index
      %get3A_123 = arith.constant 32 : index
      %get3A_124 = tpu.vector_load %arg7[%get3A_122, %get3A_123] {strides = array<i32>} : memref<128x128xf32, #tpu.memory_space<vmem>>, vector<16xf32>,
      %get3A_125 = arith.index_cast %scan3A_104 : i32 to index
      %get3A_126 = arith.constant 32 : index
      %get3A_127 = tpu.vector_load %arg9[%get3A_125, %get3A_126] {strides = array<i32>} : memref<128x128xf32, #tpu.memory_space<vmem>>, vector<16xf32>,
      %mul3A_128 = arith.mulf %get3A_124, %get3A_127 : vector<16xf32>
      %add3A_129 = arith.addf %add3A_121, %mul3A_128 : vector<16xf32>
      %get3A_130 = arith.index_cast %div3A_107 : i32 to index
      %get3A_131 = arith.constant 48 : index
      %get3A_132 = tpu.vector_load %arg7[%get3A_130, %get3A_131] {strides = array<i32>} : memref<128x128xf32, #tpu.memory_space<vmem>>, vector<16xf32>,
      %get3A_133 = arith.index_cast %scan3A_104 : i32 to index
      %get3A_134 = arith.constant 48 : index
      %get3A_135 = tpu.vector_load %arg9[%get3A_133, %get3A_134] {strides = array<i32>} : memref<128x128xf32, #tpu.memory_space<vmem>>, vector<16xf32>,
      %mul3A_136 = arith.mulf %get3A_132, %get3A_135 : vector<16xf32>
      %add3A_137 = arith.addf %add3A_129, %mul3A_136 : vector<16xf32>
      %cumsum3A = arith.constant true
      %cumsum3A_138 = vector.broadcast %cumsum3A : i1 to vector<16xi1>
      %cumsum3A_139 = tpu.scan <sum>, %add3A_137 masked %cumsum3A_138 : vector<16xf32>, vector<16xi1> -> vector<16xf32>
      %broadcast_in_dim3A = vector.broadcast %add3A_106 : i32 to vector<16xi32>
      tpu.vector_store_idx %arg10[%broadcast_in_dim3A], %cumsum3A_139 masked %eq3A_17 : memref<768xf32, #tpu.memory_space<vmem>>[vector<16xi32>], vector<16xf32>, vector<16xi1>
    }
    %scan3A_101 = arith.constant 128 : i32
    %mul3A_102 = arith.constant 6 : i32
    %mul3A_103 = arith.muli %mul3A_2, %mul3A_102 : i32
    "tpu.region"() ({
      %run_scoped3A = tpu.sem_alloc : memref<!tpu.dma_semaphore, #tpu.memory_space<semaphore_mem>>
      %dma_start3A_104 = tpu.memref_slice %arg5[%mul3A_103] : memref<24576xf32, #tpu.memory_space<hbm>> -> memref<768xf32, #tpu.memory_space<hbm>>
      %dma_start3A_105 = tpu.memref_slice %arg5[%mul3A_103] : memref<24576xf32, #tpu.memory_space<hbm>> -> memref<768xf32, #tpu.memory_space<hbm>>
      tpu.enqueue_dma source(%arg10 : memref<768xf32, #tpu.memory_space<vmem>>) target(%dma_start3A_105 : memref<768xf32, #tpu.memory_space<hbm>>) target_semaphore(%run_scoped3A : memref<!tpu.dma_semaphore, #tpu.memory_space<semaphore_mem>>)
      %dma_wait3A_106 = tpu.memref_slice %arg5[%mul3A_103] : memref<24576xf32, #tpu.memory_space<hbm>> -> memref<768xf32, #tpu.memory_space<hbm>>
      %dma_wait3A_107 = tpu.memref_slice %arg5[%mul3A_103] : memref<24576xf32, #tpu.memory_space<hbm>> -> memref<768xf32, #tpu.memory_space<hbm>>
      tpu.wait_dma2 semaphore(%run_scoped3A : memref<!tpu.dma_semaphore, #tpu.memory_space<semaphore_mem>>) src(%arg10 : memref<768xf32, #tpu.memory_space<vmem>>) dst(%dma_wait3A_107 : memref<768xf32, #tpu.memory_space<hbm>>)
      tpu.yield
    }) : () -> ()
    return
  }
}

#map = affine_map<(d0, d1) -> (0)>
#map1 = affine_map<(d0, d1) -> (0, 0)>
module attributes {stable_mosaic.version = 14 : i64} {
  func.func @h_kernel(%arg0: i32, %arg1: i32, %arg2: memref<16384xi32, #tpu.memory_space<hbm>>, %arg3: memref<4096xi32, #tpu.memory_space<hbm>>, %arg4: memref<100352x128xf32, #tpu.memory_space<hbm>>, %arg5: memref<4096x128xf32, #tpu.memory_space<hbm>>, %arg6: memref<128xi32, #tpu.memory_space<vmem>>, %arg7: memref<512xi32, #tpu.memory_space<vmem>>, %arg8: memref<128x128xf32, #tpu.memory_space<vmem>>, %arg9: memref<128x128xf32, #tpu.memory_space<vmem>>, %arg10: memref<128x128xf32, #tpu.memory_space<vmem>>, %arg11: memref<!tpu.dma_semaphore, #tpu.memory_space<semaphore_mem>>, %arg12: memref<!tpu.dma_semaphore, #tpu.memory_space<semaphore_mem>>, %arg13: memref<!tpu.dma_semaphore, #tpu.memory_space<semaphore_mem>>) attributes {dimension_semantics = [#tpu.dimension_semantics<core_parallel>, #tpu.dimension_semantics<subcore_parallel>], iteration_bounds = array<i64: 2, 16>, scalar_prefetch = 0 : i64, scratch_operands = 8 : i64, tpu.core_type = #tpu.core_type<sc_vector_subcore>, window_params = [{transform_indices = #map}, {transform_indices = #map}, {transform_indices = #map1}, {transform_indices = #map1}]} {
    %mul3A = arith.constant 2 : i32
    %mul3A_0 = arith.muli %arg1, %mul3A : i32
    %add3A = arith.addi %mul3A_0, %arg0 : i32
    %mul3A_1 = arith.constant 128 : i32
    %mul3A_2 = arith.muli %add3A, %mul3A_1 : i32
    "tpu.region"() ({
      %run_scoped3A = tpu.sem_alloc : memref<!tpu.dma_semaphore, #tpu.memory_space<semaphore_mem>>
      %dma_start3A_74 = tpu.memref_slice %arg3[%mul3A_2] : memref<4096xi32, #tpu.memory_space<hbm>> -> memref<128xi32, #tpu.memory_space<hbm>>
      %dma_start3A_75 = tpu.memref_slice %arg3[%mul3A_2] : memref<4096xi32, #tpu.memory_space<hbm>> -> memref<128xi32, #tpu.memory_space<hbm>>
      tpu.enqueue_dma source(%dma_start3A_75 : memref<128xi32, #tpu.memory_space<hbm>>) target(%arg6 : memref<128xi32, #tpu.memory_space<vmem>>) target_semaphore(%run_scoped3A : memref<!tpu.dma_semaphore, #tpu.memory_space<semaphore_mem>>)
      %dma_wait3A_76 = tpu.memref_slice %arg3[%mul3A_2] : memref<4096xi32, #tpu.memory_space<hbm>> -> memref<128xi32, #tpu.memory_space<hbm>>
      %dma_wait3A_77 = tpu.memref_slice %arg3[%mul3A_2] : memref<4096xi32, #tpu.memory_space<hbm>> -> memref<128xi32, #tpu.memory_space<hbm>>
      tpu.wait_dma2 semaphore(%run_scoped3A : memref<!tpu.dma_semaphore, #tpu.memory_space<semaphore_mem>>) src(%dma_wait3A_77 : memref<128xi32, #tpu.memory_space<hbm>>) dst(%arg6 : memref<128xi32, #tpu.memory_space<vmem>>)
      tpu.yield
    }) : () -> ()
    %mul3A_3 = arith.constant 4 : i32
    %mul3A_4 = arith.muli %add3A, %mul3A_3 : i32
    %mul3A_5 = arith.constant 128 : i32
    %mul3A_6 = arith.muli %mul3A_4, %mul3A_5 : i32
    "tpu.region"() ({
      %run_scoped3A = tpu.sem_alloc : memref<!tpu.dma_semaphore, #tpu.memory_space<semaphore_mem>>
      %dma_start3A_74 = tpu.memref_slice %arg2[%mul3A_6] : memref<16384xi32, #tpu.memory_space<hbm>> -> memref<512xi32, #tpu.memory_space<hbm>>
      %dma_start3A_75 = tpu.memref_slice %arg2[%mul3A_6] : memref<16384xi32, #tpu.memory_space<hbm>> -> memref<512xi32, #tpu.memory_space<hbm>>
      tpu.enqueue_dma source(%dma_start3A_75 : memref<512xi32, #tpu.memory_space<hbm>>) target(%arg7 : memref<512xi32, #tpu.memory_space<vmem>>) target_semaphore(%run_scoped3A : memref<!tpu.dma_semaphore, #tpu.memory_space<semaphore_mem>>)
      %dma_wait3A_76 = tpu.memref_slice %arg2[%mul3A_6] : memref<16384xi32, #tpu.memory_space<hbm>> -> memref<512xi32, #tpu.memory_space<hbm>>
      %dma_wait3A_77 = tpu.memref_slice %arg2[%mul3A_6] : memref<16384xi32, #tpu.memory_space<hbm>> -> memref<512xi32, #tpu.memory_space<hbm>>
      tpu.wait_dma2 semaphore(%run_scoped3A : memref<!tpu.dma_semaphore, #tpu.memory_space<semaphore_mem>>) src(%dma_wait3A_77 : memref<512xi32, #tpu.memory_space<hbm>>) dst(%arg7 : memref<512xi32, #tpu.memory_space<vmem>>)
      tpu.yield
    }) : () -> ()
    %dma_start3A = arith.constant 0 : i32
    %dma_start3A_7 = arith.constant 0 : i32
    %dma_start3A_8 = tpu.memref_slice %arg4[%dma_start3A, %dma_start3A_7] : memref<100352x128xf32, #tpu.memory_space<hbm>> -> memref<100352x128xf32, #tpu.memory_space<hbm>>
    tpu.enqueue_indirect_dma source(%dma_start3A_8 : memref<100352x128xf32, #tpu.memory_space<hbm>>) target(%arg8 : memref<128x128xf32, #tpu.memory_space<vmem>>) offsets(%arg6 : memref<128xi32, #tpu.memory_space<vmem>>) semaphore(%arg11 : memref<!tpu.dma_semaphore, #tpu.memory_space<semaphore_mem>>)
    %dma_start3A_9 = arith.constant 0 : i32
    %dma_start3A_10 = tpu.memref_slice %arg7[%dma_start3A_9] : memref<512xi32, #tpu.memory_space<vmem>> -> memref<128xi32, #tpu.memory_space<vmem>>
    %dma_start3A_11 = arith.constant 0 : i32
    %dma_start3A_12 = arith.constant 0 : i32
    %dma_start3A_13 = tpu.memref_slice %arg4[%dma_start3A_11, %dma_start3A_12] : memref<100352x128xf32, #tpu.memory_space<hbm>> -> memref<100352x128xf32, #tpu.memory_space<hbm>>
    tpu.enqueue_indirect_dma source(%dma_start3A_13 : memref<100352x128xf32, #tpu.memory_space<hbm>>) target(%arg9 : memref<128x128xf32, #tpu.memory_space<vmem>>) offsets(%dma_start3A_10 : memref<128xi32, #tpu.memory_space<vmem>>) semaphore(%arg12 : memref<!tpu.dma_semaphore, #tpu.memory_space<semaphore_mem>>)
    %dma_start3A_14 = arith.constant 128 : i32
    %dma_start3A_15 = tpu.memref_slice %arg7[%dma_start3A_14] : memref<512xi32, #tpu.memory_space<vmem>> -> memref<128xi32, #tpu.memory_space<vmem>>
    %dma_start3A_16 = arith.constant 0 : i32
    %dma_start3A_17 = arith.constant 0 : i32
    %dma_start3A_18 = tpu.memref_slice %arg4[%dma_start3A_16, %dma_start3A_17] : memref<100352x128xf32, #tpu.memory_space<hbm>> -> memref<100352x128xf32, #tpu.memory_space<hbm>>
    tpu.enqueue_indirect_dma source(%dma_start3A_18 : memref<100352x128xf32, #tpu.memory_space<hbm>>) target(%arg10 : memref<128x128xf32, #tpu.memory_space<vmem>>) offsets(%dma_start3A_15 : memref<128xi32, #tpu.memory_space<vmem>>) semaphore(%arg13 : memref<!tpu.dma_semaphore, #tpu.memory_space<semaphore_mem>>)
    %dma_wait3A = arith.constant 0 : i32
    %dma_wait3A_19 = arith.constant 0 : i32
    %dma_wait3A_20 = tpu.memref_slice %arg4[%dma_wait3A, %dma_wait3A_19] : memref<100352x128xf32, #tpu.memory_space<hbm>> -> memref<100352x128xf32, #tpu.memory_space<hbm>>
    tpu.wait_indirect_dma semaphore(%arg11 : memref<!tpu.dma_semaphore, #tpu.memory_space<semaphore_mem>>) src(%dma_wait3A_20 : memref<100352x128xf32, #tpu.memory_space<hbm>>) dst(%arg8 : memref<128x128xf32, #tpu.memory_space<vmem>>)
    %dma_wait3A_21 = arith.constant 0 : i32
    %dma_wait3A_22 = tpu.memref_slice %arg7[%dma_wait3A_21] : memref<512xi32, #tpu.memory_space<vmem>> -> memref<128xi32, #tpu.memory_space<vmem>>
    %dma_wait3A_23 = arith.constant 0 : i32
    %dma_wait3A_24 = arith.constant 0 : i32
    %dma_wait3A_25 = tpu.memref_slice %arg4[%dma_wait3A_23, %dma_wait3A_24] : memref<100352x128xf32, #tpu.memory_space<hbm>> -> memref<100352x128xf32, #tpu.memory_space<hbm>>
    tpu.wait_indirect_dma semaphore(%arg12 : memref<!tpu.dma_semaphore, #tpu.memory_space<semaphore_mem>>) src(%dma_wait3A_25 : memref<100352x128xf32, #tpu.memory_space<hbm>>) dst(%arg9 : memref<128x128xf32, #tpu.memory_space<vmem>>)
    %scan3A = arith.constant 0 : i32
    %scan3A_26 = arith.constant 0 : i32
    %scan3A_27 = arith.constant 32 : i32
    %scan3A_28 = arith.addi %scan3A_26, %scan3A_27 : i32
    %scan3A_29 = arith.constant 1 : i32
    scf.for %scan3A_74 = %scan3A_26 to %scan3A_28 step %scan3A_29  : i32 {
      %add3A_75 = arith.constant 0 : i32
      %add3A_76 = arith.addi %add3A_75, %scan3A_74 : i32
      %get3A = arith.index_cast %add3A_76 : i32 to index
      %get3A_77 = arith.constant 0 : index
      %get3A_78 = tpu.vector_load %arg8[%get3A, %get3A_77] {strides = array<i32>} : memref<128x128xf32, #tpu.memory_space<vmem>>, vector<16xf32>,
      %mul3A_79 = arith.constant 4 : i32
      %mul3A_80 = arith.muli %scan3A_74, %mul3A_79 : i32
      %add3A_81 = arith.constant 0 : i32
      %add3A_82 = arith.addi %mul3A_80, %add3A_81 : i32
      %get3A_83 = arith.index_cast %add3A_82 : i32 to index
      %get3A_84 = arith.constant 64 : index
      %get3A_85 = tpu.vector_load %arg9[%get3A_83, %get3A_84] {strides = array<i32>} : memref<128x128xf32, #tpu.memory_space<vmem>>, vector<16xf32>,
      %add3A_86 = arith.addf %get3A_78, %get3A_85 : vector<16xf32>
      %mul3A_87 = arith.constant 4 : i32
      %mul3A_88 = arith.muli %scan3A_74, %mul3A_87 : i32
      %add3A_89 = arith.constant 1 : i32
      %add3A_90 = arith.addi %mul3A_88, %add3A_89 : i32
      %get3A_91 = arith.index_cast %add3A_90 : i32 to index
      %get3A_92 = arith.constant 64 : index
      %get3A_93 = tpu.vector_load %arg9[%get3A_91, %get3A_92] {strides = array<i32>} : memref<128x128xf32, #tpu.memory_space<vmem>>, vector<16xf32>,
      %add3A_94 = arith.addf %add3A_86, %get3A_93 : vector<16xf32>
      %mul3A_95 = arith.constant 4 : i32
      %mul3A_96 = arith.muli %scan3A_74, %mul3A_95 : i32
      %add3A_97 = arith.constant 2 : i32
      %add3A_98 = arith.addi %mul3A_96, %add3A_97 : i32
      %get3A_99 = arith.index_cast %add3A_98 : i32 to index
      %get3A_100 = arith.constant 64 : index
      %get3A_101 = tpu.vector_load %arg9[%get3A_99, %get3A_100] {strides = array<i32>} : memref<128x128xf32, #tpu.memory_space<vmem>>, vector<16xf32>,
      %add3A_102 = arith.addf %add3A_94, %get3A_101 : vector<16xf32>
      %mul3A_103 = arith.constant 4 : i32
      %mul3A_104 = arith.muli %scan3A_74, %mul3A_103 : i32
      %add3A_105 = arith.constant 3 : i32
      %add3A_106 = arith.addi %mul3A_104, %add3A_105 : i32
      %get3A_107 = arith.index_cast %add3A_106 : i32 to index
      %get3A_108 = arith.constant 64 : index
      %get3A_109 = tpu.vector_load %arg9[%get3A_107, %get3A_108] {strides = array<i32>} : memref<128x128xf32, #tpu.memory_space<vmem>>, vector<16xf32>,
      %add3A_110 = arith.addf %add3A_102, %get3A_109 : vector<16xf32>
      %swap3A = arith.index_cast %add3A_76 : i32 to index
      %swap3A_111 = arith.constant 0 : index
      %swap3A_112 = tpu.vector_load %arg8[%swap3A, %swap3A_111] {strides = array<i32>} : memref<128x128xf32, #tpu.memory_space<vmem>>, vector<16xf32>,
      tpu.vector_store %arg8[%swap3A, %swap3A_111], %add3A_110 {strides = array<i32>} : memref<128x128xf32, #tpu.memory_space<vmem>>, vector<16xf32>,
      %get3A_113 = arith.index_cast %add3A_76 : i32 to index
      %get3A_114 = arith.constant 16 : index
      %get3A_115 = tpu.vector_load %arg8[%get3A_113, %get3A_114] {strides = array<i32>} : memref<128x128xf32, #tpu.memory_space<vmem>>, vector<16xf32>,
      %mul3A_116 = arith.constant 4 : i32
      %mul3A_117 = arith.muli %scan3A_74, %mul3A_116 : i32
      %add3A_118 = arith.constant 0 : i32
      %add3A_119 = arith.addi %mul3A_117, %add3A_118 : i32
      %get3A_120 = arith.index_cast %add3A_119 : i32 to index
      %get3A_121 = arith.constant 80 : index
      %get3A_122 = tpu.vector_load %arg9[%get3A_120, %get3A_121] {strides = array<i32>} : memref<128x128xf32, #tpu.memory_space<vmem>>, vector<16xf32>,
      %add3A_123 = arith.addf %get3A_115, %get3A_122 : vector<16xf32>
      %mul3A_124 = arith.constant 4 : i32
      %mul3A_125 = arith.muli %scan3A_74, %mul3A_124 : i32
      %add3A_126 = arith.constant 1 : i32
      %add3A_127 = arith.addi %mul3A_125, %add3A_126 : i32
      %get3A_128 = arith.index_cast %add3A_127 : i32 to index
      %get3A_129 = arith.constant 80 : index
      %get3A_130 = tpu.vector_load %arg9[%get3A_128, %get3A_129] {strides = array<i32>} : memref<128x128xf32, #tpu.memory_space<vmem>>, vector<16xf32>,
      %add3A_131 = arith.addf %add3A_123, %get3A_130 : vector<16xf32>
      %mul3A_132 = arith.constant 4 : i32
      %mul3A_133 = arith.muli %scan3A_74, %mul3A_132 : i32
      %add3A_134 = arith.constant 2 : i32
      %add3A_135 = arith.addi %mul3A_133, %add3A_134 : i32
      %get3A_136 = arith.index_cast %add3A_135 : i32 to index
      %get3A_137 = arith.constant 80 : index
      %get3A_138 = tpu.vector_load %arg9[%get3A_136, %get3A_137] {strides = array<i32>} : memref<128x128xf32, #tpu.memory_space<vmem>>, vector<16xf32>,
      %add3A_139 = arith.addf %add3A_131, %get3A_138 : vector<16xf32>
      %mul3A_140 = arith.constant 4 : i32
      %mul3A_141 = arith.muli %scan3A_74, %mul3A_140 : i32
      %add3A_142 = arith.constant 3 : i32
      %add3A_143 = arith.addi %mul3A_141, %add3A_142 : i32
      %get3A_144 = arith.index_cast %add3A_143 : i32 to index
      %get3A_145 = arith.constant 80 : index
      %get3A_146 = tpu.vector_load %arg9[%get3A_144, %get3A_145] {strides = array<i32>} : memref<128x128xf32, #tpu.memory_space<vmem>>, vector<16xf32>,
      %add3A_147 = arith.addf %add3A_139, %get3A_146 : vector<16xf32>
      %swap3A_148 = arith.index_cast %add3A_76 : i32 to index
      %swap3A_149 = arith.constant 16 : index
      %swap3A_150 = tpu.vector_load %arg8[%swap3A_148, %swap3A_149] {strides = array<i32>} : memref<128x128xf32, #tpu.memory_space<vmem>>, vector<16xf32>,
      tpu.vector_store %arg8[%swap3A_148, %swap3A_149], %add3A_147 {strides = array<i32>} : memref<128x128xf32, #tpu.memory_space<vmem>>, vector<16xf32>,
      %get3A_151 = arith.index_cast %add3A_76 : i32 to index
      %get3A_152 = arith.constant 32 : index
      %get3A_153 = tpu.vector_load %arg8[%get3A_151, %get3A_152] {strides = array<i32>} : memref<128x128xf32, #tpu.memory_space<vmem>>, vector<16xf32>,
      %mul3A_154 = arith.constant 4 : i32
      %mul3A_155 = arith.muli %scan3A_74, %mul3A_154 : i32
      %add3A_156 = arith.constant 0 : i32
      %add3A_157 = arith.addi %mul3A_155, %add3A_156 : i32
      %get3A_158 = arith.index_cast %add3A_157 : i32 to index
      %get3A_159 = arith.constant 96 : index
      %get3A_160 = tpu.vector_load %arg9[%get3A_158, %get3A_159] {strides = array<i32>} : memref<128x128xf32, #tpu.memory_space<vmem>>, vector<16xf32>,
      %add3A_161 = arith.addf %get3A_153, %get3A_160 : vector<16xf32>
      %mul3A_162 = arith.constant 4 : i32
      %mul3A_163 = arith.muli %scan3A_74, %mul3A_162 : i32
      %add3A_164 = arith.constant 1 : i32
      %add3A_165 = arith.addi %mul3A_163, %add3A_164 : i32
      %get3A_166 = arith.index_cast %add3A_165 : i32 to index
      %get3A_167 = arith.constant 96 : index
      %get3A_168 = tpu.vector_load %arg9[%get3A_166, %get3A_167] {strides = array<i32>} : memref<128x128xf32, #tpu.memory_space<vmem>>, vector<16xf32>,
      %add3A_169 = arith.addf %add3A_161, %get3A_168 : vector<16xf32>
      %mul3A_170 = arith.constant 4 : i32
      %mul3A_171 = arith.muli %scan3A_74, %mul3A_170 : i32
      %add3A_172 = arith.constant 2 : i32
      %add3A_173 = arith.addi %mul3A_171, %add3A_172 : i32
      %get3A_174 = arith.index_cast %add3A_173 : i32 to index
      %get3A_175 = arith.constant 96 : index
      %get3A_176 = tpu.vector_load %arg9[%get3A_174, %get3A_175] {strides = array<i32>} : memref<128x128xf32, #tpu.memory_space<vmem>>, vector<16xf32>,
      %add3A_177 = arith.addf %add3A_169, %get3A_176 : vector<16xf32>
      %mul3A_178 = arith.constant 4 : i32
      %mul3A_179 = arith.muli %scan3A_74, %mul3A_178 : i32
      %add3A_180 = arith.constant 3 : i32
      %add3A_181 = arith.addi %mul3A_179, %add3A_180 : i32
      %get3A_182 = arith.index_cast %add3A_181 : i32 to index
      %get3A_183 = arith.constant 96 : index
      %get3A_184 = tpu.vector_load %arg9[%get3A_182, %get3A_183] {strides = array<i32>} : memref<128x128xf32, #tpu.memory_space<vmem>>, vector<16xf32>,
      %add3A_185 = arith.addf %add3A_177, %get3A_184 : vector<16xf32>
      %swap3A_186 = arith.index_cast %add3A_76 : i32 to index
      %swap3A_187 = arith.constant 32 : index
      %swap3A_188 = tpu.vector_load %arg8[%swap3A_186, %swap3A_187] {strides = array<i32>} : memref<128x128xf32, #tpu.memory_space<vmem>>, vector<16xf32>,
      tpu.vector_store %arg8[%swap3A_186, %swap3A_187], %add3A_185 {strides = array<i32>} : memref<128x128xf32, #tpu.memory_space<vmem>>, vector<16xf32>,
      %get3A_189 = arith.index_cast %add3A_76 : i32 to index
      %get3A_190 = arith.constant 48 : index
      %get3A_191 = tpu.vector_load %arg8[%get3A_189, %get3A_190] {strides = array<i32>} : memref<128x128xf32, #tpu.memory_space<vmem>>, vector<16xf32>,
      %mul3A_192 = arith.constant 4 : i32
      %mul3A_193 = arith.muli %scan3A_74, %mul3A_192 : i32
      %add3A_194 = arith.constant 0 : i32
      %add3A_195 = arith.addi %mul3A_193, %add3A_194 : i32
      %get3A_196 = arith.index_cast %add3A_195 : i32 to index
      %get3A_197 = arith.constant 112 : index
      %get3A_198 = tpu.vector_load %arg9[%get3A_196, %get3A_197] {strides = array<i32>} : memref<128x128xf32, #tpu.memory_space<vmem>>, vector<16xf32>,
      %add3A_199 = arith.addf %get3A_191, %get3A_198 : vector<16xf32>
      %mul3A_200 = arith.constant 4 : i32
      %mul3A_201 = arith.muli %scan3A_74, %mul3A_200 : i32
      %add3A_202 = arith.constant 1 : i32
      %add3A_203 = arith.addi %mul3A_201, %add3A_202 : i32
      %get3A_204 = arith.index_cast %add3A_203 : i32 to index
      %get3A_205 = arith.constant 112 : index
      %get3A_206 = tpu.vector_load %arg9[%get3A_204, %get3A_205] {strides = array<i32>} : memref<128x128xf32, #tpu.memory_space<vmem>>, vector<16xf32>,
      %add3A_207 = arith.addf %add3A_199, %get3A_206 : vector<16xf32>
      %mul3A_208 = arith.constant 4 : i32
      %mul3A_209 = arith.muli %scan3A_74, %mul3A_208 : i32
      %add3A_210 = arith.constant 2 : i32
      %add3A_211 = arith.addi %mul3A_209, %add3A_210 : i32
      %get3A_212 = arith.index_cast %add3A_211 : i32 to index
      %get3A_213 = arith.constant 112 : index
      %get3A_214 = tpu.vector_load %arg9[%get3A_212, %get3A_213] {strides = array<i32>} : memref<128x128xf32, #tpu.memory_space<vmem>>, vector<16xf32>,
      %add3A_215 = arith.addf %add3A_207, %get3A_214 : vector<16xf32>
      %mul3A_216 = arith.constant 4 : i32
      %mul3A_217 = arith.muli %scan3A_74, %mul3A_216 : i32
      %add3A_218 = arith.constant 3 : i32
      %add3A_219 = arith.addi %mul3A_217, %add3A_218 : i32
      %get3A_220 = arith.index_cast %add3A_219 : i32 to index
      %get3A_221 = arith.constant 112 : index
      %get3A_222 = tpu.vector_load %arg9[%get3A_220, %get3A_221] {strides = array<i32>} : memref<128x128xf32, #tpu.memory_space<vmem>>, vector<16xf32>,
      %add3A_223 = arith.addf %add3A_215, %get3A_222 : vector<16xf32>
      %swap3A_224 = arith.index_cast %add3A_76 : i32 to index
      %swap3A_225 = arith.constant 48 : index
      %swap3A_226 = tpu.vector_load %arg8[%swap3A_224, %swap3A_225] {strides = array<i32>} : memref<128x128xf32, #tpu.memory_space<vmem>>, vector<16xf32>,
      tpu.vector_store %arg8[%swap3A_224, %swap3A_225], %add3A_223 {strides = array<i32>} : memref<128x128xf32, #tpu.memory_space<vmem>>, vector<16xf32>,
    }
    %scan3A_30 = arith.constant 32 : i32
    %dma_start3A_31 = arith.constant 256 : i32
    %dma_start3A_32 = tpu.memref_slice %arg7[%dma_start3A_31] : memref<512xi32, #tpu.memory_space<vmem>> -> memref<128xi32, #tpu.memory_space<vmem>>
    %dma_start3A_33 = arith.constant 0 : i32
    %dma_start3A_34 = arith.constant 0 : i32
    %dma_start3A_35 = tpu.memref_slice %arg4[%dma_start3A_33, %dma_start3A_34] : memref<100352x128xf32, #tpu.memory_space<hbm>> -> memref<100352x128xf32, #tpu.memory_space<hbm>>
    tpu.enqueue_indirect_dma source(%dma_start3A_35 : memref<100352x128xf32, #tpu.memory_space<hbm>>) target(%arg9 : memref<128x128xf32, #tpu.memory_space<vmem>>) offsets(%dma_start3A_32 : memref<128xi32, #tpu.memory_space<vmem>>) semaphore(%arg12 : memref<!tpu.dma_semaphore, #tpu.memory_space<semaphore_mem>>)
    %dma_wait3A_36 = arith.constant 128 : i32
    %dma_wait3A_37 = tpu.memref_slice %arg7[%dma_wait3A_36] : memref<512xi32, #tpu.memory_space<vmem>> -> memref<128xi32, #tpu.memory_space<vmem>>
    %dma_wait3A_38 = arith.constant 0 : i32
    %dma_wait3A_39 = arith.constant 0 : i32
    %dma_wait3A_40 = tpu.memref_slice %arg4[%dma_wait3A_38, %dma_wait3A_39] : memref<100352x128xf32, #tpu.memory_space<hbm>> -> memref<100352x128xf32, #tpu.memory_space<hbm>>
    tpu.wait_indirect_dma semaphore(%arg13 : memref<!tpu.dma_semaphore, #tpu.memory_space<semaphore_mem>>) src(%dma_wait3A_40 : memref<100352x128xf32, #tpu.memory_space<hbm>>) dst(%arg10 : memref<128x128xf32, #tpu.memory_space<vmem>>)
    %scan3A_41 = arith.constant 0 : i32
    %scan3A_42 = arith.constant 0 : i32
    %scan3A_43 = arith.constant 32 : i32
    %scan3A_44 = arith.addi %scan3A_42, %scan3A_43 : i32
    %scan3A_45 = arith.constant 1 : i32
    scf.for %scan3A_74 = %scan3A_42 to %scan3A_44 step %scan3A_45  : i32 {
      %add3A_75 = arith.constant 32 : i32
      %add3A_76 = arith.addi %add3A_75, %scan3A_74 : i32
      %get3A = arith.index_cast %add3A_76 : i32 to index
      %get3A_77 = arith.constant 0 : index
      %get3A_78 = tpu.vector_load %arg8[%get3A, %get3A_77] {strides = array<i32>} : memref<128x128xf32, #tpu.memory_space<vmem>>, vector<16xf32>,
      %mul3A_79 = arith.constant 4 : i32
      %mul3A_80 = arith.muli %scan3A_74, %mul3A_79 : i32
      %add3A_81 = arith.constant 0 : i32
      %add3A_82 = arith.addi %mul3A_80, %add3A_81 : i32
      %get3A_83 = arith.index_cast %add3A_82 : i32 to index
      %get3A_84 = arith.constant 64 : index
      %get3A_85 = tpu.vector_load %arg10[%get3A_83, %get3A_84] {strides = array<i32>} : memref<128x128xf32, #tpu.memory_space<vmem>>, vector<16xf32>,
      %add3A_86 = arith.addf %get3A_78, %get3A_85 : vector<16xf32>
      %mul3A_87 = arith.constant 4 : i32
      %mul3A_88 = arith.muli %scan3A_74, %mul3A_87 : i32
      %add3A_89 = arith.constant 1 : i32
      %add3A_90 = arith.addi %mul3A_88, %add3A_89 : i32
      %get3A_91 = arith.index_cast %add3A_90 : i32 to index
      %get3A_92 = arith.constant 64 : index
      %get3A_93 = tpu.vector_load %arg10[%get3A_91, %get3A_92] {strides = array<i32>} : memref<128x128xf32, #tpu.memory_space<vmem>>, vector<16xf32>,
      %add3A_94 = arith.addf %add3A_86, %get3A_93 : vector<16xf32>
      %mul3A_95 = arith.constant 4 : i32
      %mul3A_96 = arith.muli %scan3A_74, %mul3A_95 : i32
      %add3A_97 = arith.constant 2 : i32
      %add3A_98 = arith.addi %mul3A_96, %add3A_97 : i32
      %get3A_99 = arith.index_cast %add3A_98 : i32 to index
      %get3A_100 = arith.constant 64 : index
      %get3A_101 = tpu.vector_load %arg10[%get3A_99, %get3A_100] {strides = array<i32>} : memref<128x128xf32, #tpu.memory_space<vmem>>, vector<16xf32>,
      %add3A_102 = arith.addf %add3A_94, %get3A_101 : vector<16xf32>
      %mul3A_103 = arith.constant 4 : i32
      %mul3A_104 = arith.muli %scan3A_74, %mul3A_103 : i32
      %add3A_105 = arith.constant 3 : i32
      %add3A_106 = arith.addi %mul3A_104, %add3A_105 : i32
      %get3A_107 = arith.index_cast %add3A_106 : i32 to index
      %get3A_108 = arith.constant 64 : index
      %get3A_109 = tpu.vector_load %arg10[%get3A_107, %get3A_108] {strides = array<i32>} : memref<128x128xf32, #tpu.memory_space<vmem>>, vector<16xf32>,
      %add3A_110 = arith.addf %add3A_102, %get3A_109 : vector<16xf32>
      %swap3A = arith.index_cast %add3A_76 : i32 to index
      %swap3A_111 = arith.constant 0 : index
      %swap3A_112 = tpu.vector_load %arg8[%swap3A, %swap3A_111] {strides = array<i32>} : memref<128x128xf32, #tpu.memory_space<vmem>>, vector<16xf32>,
      tpu.vector_store %arg8[%swap3A, %swap3A_111], %add3A_110 {strides = array<i32>} : memref<128x128xf32, #tpu.memory_space<vmem>>, vector<16xf32>,
      %get3A_113 = arith.index_cast %add3A_76 : i32 to index
      %get3A_114 = arith.constant 16 : index
      %get3A_115 = tpu.vector_load %arg8[%get3A_113, %get3A_114] {strides = array<i32>} : memref<128x128xf32, #tpu.memory_space<vmem>>, vector<16xf32>,
      %mul3A_116 = arith.constant 4 : i32
      %mul3A_117 = arith.muli %scan3A_74, %mul3A_116 : i32
      %add3A_118 = arith.constant 0 : i32
      %add3A_119 = arith.addi %mul3A_117, %add3A_118 : i32
      %get3A_120 = arith.index_cast %add3A_119 : i32 to index
      %get3A_121 = arith.constant 80 : index
      %get3A_122 = tpu.vector_load %arg10[%get3A_120, %get3A_121] {strides = array<i32>} : memref<128x128xf32, #tpu.memory_space<vmem>>, vector<16xf32>,
      %add3A_123 = arith.addf %get3A_115, %get3A_122 : vector<16xf32>
      %mul3A_124 = arith.constant 4 : i32
      %mul3A_125 = arith.muli %scan3A_74, %mul3A_124 : i32
      %add3A_126 = arith.constant 1 : i32
      %add3A_127 = arith.addi %mul3A_125, %add3A_126 : i32
      %get3A_128 = arith.index_cast %add3A_127 : i32 to index
      %get3A_129 = arith.constant 80 : index
      %get3A_130 = tpu.vector_load %arg10[%get3A_128, %get3A_129] {strides = array<i32>} : memref<128x128xf32, #tpu.memory_space<vmem>>, vector<16xf32>,
      %add3A_131 = arith.addf %add3A_123, %get3A_130 : vector<16xf32>
      %mul3A_132 = arith.constant 4 : i32
      %mul3A_133 = arith.muli %scan3A_74, %mul3A_132 : i32
      %add3A_134 = arith.constant 2 : i32
      %add3A_135 = arith.addi %mul3A_133, %add3A_134 : i32
      %get3A_136 = arith.index_cast %add3A_135 : i32 to index
      %get3A_137 = arith.constant 80 : index
      %get3A_138 = tpu.vector_load %arg10[%get3A_136, %get3A_137] {strides = array<i32>} : memref<128x128xf32, #tpu.memory_space<vmem>>, vector<16xf32>,
      %add3A_139 = arith.addf %add3A_131, %get3A_138 : vector<16xf32>
      %mul3A_140 = arith.constant 4 : i32
      %mul3A_141 = arith.muli %scan3A_74, %mul3A_140 : i32
      %add3A_142 = arith.constant 3 : i32
      %add3A_143 = arith.addi %mul3A_141, %add3A_142 : i32
      %get3A_144 = arith.index_cast %add3A_143 : i32 to index
      %get3A_145 = arith.constant 80 : index
      %get3A_146 = tpu.vector_load %arg10[%get3A_144, %get3A_145] {strides = array<i32>} : memref<128x128xf32, #tpu.memory_space<vmem>>, vector<16xf32>,
      %add3A_147 = arith.addf %add3A_139, %get3A_146 : vector<16xf32>
      %swap3A_148 = arith.index_cast %add3A_76 : i32 to index
      %swap3A_149 = arith.constant 16 : index
      %swap3A_150 = tpu.vector_load %arg8[%swap3A_148, %swap3A_149] {strides = array<i32>} : memref<128x128xf32, #tpu.memory_space<vmem>>, vector<16xf32>,
      tpu.vector_store %arg8[%swap3A_148, %swap3A_149], %add3A_147 {strides = array<i32>} : memref<128x128xf32, #tpu.memory_space<vmem>>, vector<16xf32>,
      %get3A_151 = arith.index_cast %add3A_76 : i32 to index
      %get3A_152 = arith.constant 32 : index
      %get3A_153 = tpu.vector_load %arg8[%get3A_151, %get3A_152] {strides = array<i32>} : memref<128x128xf32, #tpu.memory_space<vmem>>, vector<16xf32>,
      %mul3A_154 = arith.constant 4 : i32
      %mul3A_155 = arith.muli %scan3A_74, %mul3A_154 : i32
      %add3A_156 = arith.constant 0 : i32
      %add3A_157 = arith.addi %mul3A_155, %add3A_156 : i32
      %get3A_158 = arith.index_cast %add3A_157 : i32 to index
      %get3A_159 = arith.constant 96 : index
      %get3A_160 = tpu.vector_load %arg10[%get3A_158, %get3A_159] {strides = array<i32>} : memref<128x128xf32, #tpu.memory_space<vmem>>, vector<16xf32>,
      %add3A_161 = arith.addf %get3A_153, %get3A_160 : vector<16xf32>
      %mul3A_162 = arith.constant 4 : i32
      %mul3A_163 = arith.muli %scan3A_74, %mul3A_162 : i32
      %add3A_164 = arith.constant 1 : i32
      %add3A_165 = arith.addi %mul3A_163, %add3A_164 : i32
      %get3A_166 = arith.index_cast %add3A_165 : i32 to index
      %get3A_167 = arith.constant 96 : index
      %get3A_168 = tpu.vector_load %arg10[%get3A_166, %get3A_167] {strides = array<i32>} : memref<128x128xf32, #tpu.memory_space<vmem>>, vector<16xf32>,
      %add3A_169 = arith.addf %add3A_161, %get3A_168 : vector<16xf32>
      %mul3A_170 = arith.constant 4 : i32
      %mul3A_171 = arith.muli %scan3A_74, %mul3A_170 : i32
      %add3A_172 = arith.constant 2 : i32
      %add3A_173 = arith.addi %mul3A_171, %add3A_172 : i32
      %get3A_174 = arith.index_cast %add3A_173 : i32 to index
      %get3A_175 = arith.constant 96 : index
      %get3A_176 = tpu.vector_load %arg10[%get3A_174, %get3A_175] {strides = array<i32>} : memref<128x128xf32, #tpu.memory_space<vmem>>, vector<16xf32>,
      %add3A_177 = arith.addf %add3A_169, %get3A_176 : vector<16xf32>
      %mul3A_178 = arith.constant 4 : i32
      %mul3A_179 = arith.muli %scan3A_74, %mul3A_178 : i32
      %add3A_180 = arith.constant 3 : i32
      %add3A_181 = arith.addi %mul3A_179, %add3A_180 : i32
      %get3A_182 = arith.index_cast %add3A_181 : i32 to index
      %get3A_183 = arith.constant 96 : index
      %get3A_184 = tpu.vector_load %arg10[%get3A_182, %get3A_183] {strides = array<i32>} : memref<128x128xf32, #tpu.memory_space<vmem>>, vector<16xf32>,
      %add3A_185 = arith.addf %add3A_177, %get3A_184 : vector<16xf32>
      %swap3A_186 = arith.index_cast %add3A_76 : i32 to index
      %swap3A_187 = arith.constant 32 : index
      %swap3A_188 = tpu.vector_load %arg8[%swap3A_186, %swap3A_187] {strides = array<i32>} : memref<128x128xf32, #tpu.memory_space<vmem>>, vector<16xf32>,
      tpu.vector_store %arg8[%swap3A_186, %swap3A_187], %add3A_185 {strides = array<i32>} : memref<128x128xf32, #tpu.memory_space<vmem>>, vector<16xf32>,
      %get3A_189 = arith.index_cast %add3A_76 : i32 to index
      %get3A_190 = arith.constant 48 : index
      %get3A_191 = tpu.vector_load %arg8[%get3A_189, %get3A_190] {strides = array<i32>} : memref<128x128xf32, #tpu.memory_space<vmem>>, vector<16xf32>,
      %mul3A_192 = arith.constant 4 : i32
      %mul3A_193 = arith.muli %scan3A_74, %mul3A_192 : i32
      %add3A_194 = arith.constant 0 : i32
      %add3A_195 = arith.addi %mul3A_193, %add3A_194 : i32
      %get3A_196 = arith.index_cast %add3A_195 : i32 to index
      %get3A_197 = arith.constant 112 : index
      %get3A_198 = tpu.vector_load %arg10[%get3A_196, %get3A_197] {strides = array<i32>} : memref<128x128xf32, #tpu.memory_space<vmem>>, vector<16xf32>,
      %add3A_199 = arith.addf %get3A_191, %get3A_198 : vector<16xf32>
      %mul3A_200 = arith.constant 4 : i32
      %mul3A_201 = arith.muli %scan3A_74, %mul3A_200 : i32
      %add3A_202 = arith.constant 1 : i32
      %add3A_203 = arith.addi %mul3A_201, %add3A_202 : i32
      %get3A_204 = arith.index_cast %add3A_203 : i32 to index
      %get3A_205 = arith.constant 112 : index
      %get3A_206 = tpu.vector_load %arg10[%get3A_204, %get3A_205] {strides = array<i32>} : memref<128x128xf32, #tpu.memory_space<vmem>>, vector<16xf32>,
      %add3A_207 = arith.addf %add3A_199, %get3A_206 : vector<16xf32>
      %mul3A_208 = arith.constant 4 : i32
      %mul3A_209 = arith.muli %scan3A_74, %mul3A_208 : i32
      %add3A_210 = arith.constant 2 : i32
      %add3A_211 = arith.addi %mul3A_209, %add3A_210 : i32
      %get3A_212 = arith.index_cast %add3A_211 : i32 to index
      %get3A_213 = arith.constant 112 : index
      %get3A_214 = tpu.vector_load %arg10[%get3A_212, %get3A_213] {strides = array<i32>} : memref<128x128xf32, #tpu.memory_space<vmem>>, vector<16xf32>,
      %add3A_215 = arith.addf %add3A_207, %get3A_214 : vector<16xf32>
      %mul3A_216 = arith.constant 4 : i32
      %mul3A_217 = arith.muli %scan3A_74, %mul3A_216 : i32
      %add3A_218 = arith.constant 3 : i32
      %add3A_219 = arith.addi %mul3A_217, %add3A_218 : i32
      %get3A_220 = arith.index_cast %add3A_219 : i32 to index
      %get3A_221 = arith.constant 112 : index
      %get3A_222 = tpu.vector_load %arg10[%get3A_220, %get3A_221] {strides = array<i32>} : memref<128x128xf32, #tpu.memory_space<vmem>>, vector<16xf32>,
      %add3A_223 = arith.addf %add3A_215, %get3A_222 : vector<16xf32>
      %swap3A_224 = arith.index_cast %add3A_76 : i32 to index
      %swap3A_225 = arith.constant 48 : index
      %swap3A_226 = tpu.vector_load %arg8[%swap3A_224, %swap3A_225] {strides = array<i32>} : memref<128x128xf32, #tpu.memory_space<vmem>>, vector<16xf32>,
      tpu.vector_store %arg8[%swap3A_224, %swap3A_225], %add3A_223 {strides = array<i32>} : memref<128x128xf32, #tpu.memory_space<vmem>>, vector<16xf32>,
    }
    %scan3A_46 = arith.constant 32 : i32
    %dma_start3A_47 = arith.constant 384 : i32
    %dma_start3A_48 = tpu.memref_slice %arg7[%dma_start3A_47] : memref<512xi32, #tpu.memory_space<vmem>> -> memref<128xi32, #tpu.memory_space<vmem>>
    %dma_start3A_49 = arith.constant 0 : i32
    %dma_start3A_50 = arith.constant 0 : i32
    %dma_start3A_51 = tpu.memref_slice %arg4[%dma_start3A_49, %dma_start3A_50] : memref<100352x128xf32, #tpu.memory_space<hbm>> -> memref<100352x128xf32, #tpu.memory_space<hbm>>
    tpu.enqueue_indirect_dma source(%dma_start3A_51 : memref<100352x128xf32, #tpu.memory_space<hbm>>) target(%arg10 : memref<128x128xf32, #tpu.memory_space<vmem>>) offsets(%dma_start3A_48 : memref<128xi32, #tpu.memory_space<vmem>>) semaphore(%arg13 : memref<!tpu.dma_semaphore, #tpu.memory_space<semaphore_mem>>)
    %dma_wait3A_52 = arith.constant 256 : i32
    %dma_wait3A_53 = tpu.memref_slice %arg7[%dma_wait3A_52] : memref<512xi32, #tpu.memory_space<vmem>> -> memref<128xi32, #tpu.memory_space<vmem>>
    %dma_wait3A_54 = arith.constant 0 : i32
    %dma_wait3A_55 = arith.constant 0 : i32
    %dma_wait3A_56 = tpu.memref_slice %arg4[%dma_wait3A_54, %dma_wait3A_55] : memref<100352x128xf32, #tpu.memory_space<hbm>> -> memref<100352x128xf32, #tpu.memory_space<hbm>>
    tpu.wait_indirect_dma semaphore(%arg12 : memref<!tpu.dma_semaphore, #tpu.memory_space<semaphore_mem>>) src(%dma_wait3A_56 : memref<100352x128xf32, #tpu.memory_space<hbm>>) dst(%arg9 : memref<128x128xf32, #tpu.memory_space<vmem>>)
    %scan3A_57 = arith.constant 0 : i32
    %scan3A_58 = arith.constant 0 : i32
    %scan3A_59 = arith.constant 32 : i32
    %scan3A_60 = arith.addi %scan3A_58, %scan3A_59 : i32
    %scan3A_61 = arith.constant 1 : i32
    scf.for %scan3A_74 = %scan3A_58 to %scan3A_60 step %scan3A_61  : i32 {
      %add3A_75 = arith.constant 64 : i32
      %add3A_76 = arith.addi %add3A_75, %scan3A_74 : i32
      %get3A = arith.index_cast %add3A_76 : i32 to index
      %get3A_77 = arith.constant 0 : index
      %get3A_78 = tpu.vector_load %arg8[%get3A, %get3A_77] {strides = array<i32>} : memref<128x128xf32, #tpu.memory_space<vmem>>, vector<16xf32>,
      %mul3A_79 = arith.constant 4 : i32
      %mul3A_80 = arith.muli %scan3A_74, %mul3A_79 : i32
      %add3A_81 = arith.constant 0 : i32
      %add3A_82 = arith.addi %mul3A_80, %add3A_81 : i32
      %get3A_83 = arith.index_cast %add3A_82 : i32 to index
      %get3A_84 = arith.constant 64 : index
      %get3A_85 = tpu.vector_load %arg9[%get3A_83, %get3A_84] {strides = array<i32>} : memref<128x128xf32, #tpu.memory_space<vmem>>, vector<16xf32>,
      %add3A_86 = arith.addf %get3A_78, %get3A_85 : vector<16xf32>
      %mul3A_87 = arith.constant 4 : i32
      %mul3A_88 = arith.muli %scan3A_74, %mul3A_87 : i32
      %add3A_89 = arith.constant 1 : i32
      %add3A_90 = arith.addi %mul3A_88, %add3A_89 : i32
      %get3A_91 = arith.index_cast %add3A_90 : i32 to index
      %get3A_92 = arith.constant 64 : index
      %get3A_93 = tpu.vector_load %arg9[%get3A_91, %get3A_92] {strides = array<i32>} : memref<128x128xf32, #tpu.memory_space<vmem>>, vector<16xf32>,
      %add3A_94 = arith.addf %add3A_86, %get3A_93 : vector<16xf32>
      %mul3A_95 = arith.constant 4 : i32
      %mul3A_96 = arith.muli %scan3A_74, %mul3A_95 : i32
      %add3A_97 = arith.constant 2 : i32
      %add3A_98 = arith.addi %mul3A_96, %add3A_97 : i32
      %get3A_99 = arith.index_cast %add3A_98 : i32 to index
      %get3A_100 = arith.constant 64 : index
      %get3A_101 = tpu.vector_load %arg9[%get3A_99, %get3A_100] {strides = array<i32>} : memref<128x128xf32, #tpu.memory_space<vmem>>, vector<16xf32>,
      %add3A_102 = arith.addf %add3A_94, %get3A_101 : vector<16xf32>
      %mul3A_103 = arith.constant 4 : i32
      %mul3A_104 = arith.muli %scan3A_74, %mul3A_103 : i32
      %add3A_105 = arith.constant 3 : i32
      %add3A_106 = arith.addi %mul3A_104, %add3A_105 : i32
      %get3A_107 = arith.index_cast %add3A_106 : i32 to index
      %get3A_108 = arith.constant 64 : index
      %get3A_109 = tpu.vector_load %arg9[%get3A_107, %get3A_108] {strides = array<i32>} : memref<128x128xf32, #tpu.memory_space<vmem>>, vector<16xf32>,
      %add3A_110 = arith.addf %add3A_102, %get3A_109 : vector<16xf32>
      %swap3A = arith.index_cast %add3A_76 : i32 to index
      %swap3A_111 = arith.constant 0 : index
      %swap3A_112 = tpu.vector_load %arg8[%swap3A, %swap3A_111] {strides = array<i32>} : memref<128x128xf32, #tpu.memory_space<vmem>>, vector<16xf32>,
      tpu.vector_store %arg8[%swap3A, %swap3A_111], %add3A_110 {strides = array<i32>} : memref<128x128xf32, #tpu.memory_space<vmem>>, vector<16xf32>,
      %get3A_113 = arith.index_cast %add3A_76 : i32 to index
      %get3A_114 = arith.constant 16 : index
      %get3A_115 = tpu.vector_load %arg8[%get3A_113, %get3A_114] {strides = array<i32>} : memref<128x128xf32, #tpu.memory_space<vmem>>, vector<16xf32>,
      %mul3A_116 = arith.constant 4 : i32
      %mul3A_117 = arith.muli %scan3A_74, %mul3A_116 : i32
      %add3A_118 = arith.constant 0 : i32
      %add3A_119 = arith.addi %mul3A_117, %add3A_118 : i32
      %get3A_120 = arith.index_cast %add3A_119 : i32 to index
      %get3A_121 = arith.constant 80 : index
      %get3A_122 = tpu.vector_load %arg9[%get3A_120, %get3A_121] {strides = array<i32>} : memref<128x128xf32, #tpu.memory_space<vmem>>, vector<16xf32>,
      %add3A_123 = arith.addf %get3A_115, %get3A_122 : vector<16xf32>
      %mul3A_124 = arith.constant 4 : i32
      %mul3A_125 = arith.muli %scan3A_74, %mul3A_124 : i32
      %add3A_126 = arith.constant 1 : i32
      %add3A_127 = arith.addi %mul3A_125, %add3A_126 : i32
      %get3A_128 = arith.index_cast %add3A_127 : i32 to index
      %get3A_129 = arith.constant 80 : index
      %get3A_130 = tpu.vector_load %arg9[%get3A_128, %get3A_129] {strides = array<i32>} : memref<128x128xf32, #tpu.memory_space<vmem>>, vector<16xf32>,
      %add3A_131 = arith.addf %add3A_123, %get3A_130 : vector<16xf32>
      %mul3A_132 = arith.constant 4 : i32
      %mul3A_133 = arith.muli %scan3A_74, %mul3A_132 : i32
      %add3A_134 = arith.constant 2 : i32
      %add3A_135 = arith.addi %mul3A_133, %add3A_134 : i32
      %get3A_136 = arith.index_cast %add3A_135 : i32 to index
      %get3A_137 = arith.constant 80 : index
      %get3A_138 = tpu.vector_load %arg9[%get3A_136, %get3A_137] {strides = array<i32>} : memref<128x128xf32, #tpu.memory_space<vmem>>, vector<16xf32>,
      %add3A_139 = arith.addf %add3A_131, %get3A_138 : vector<16xf32>
      %mul3A_140 = arith.constant 4 : i32
      %mul3A_141 = arith.muli %scan3A_74, %mul3A_140 : i32
      %add3A_142 = arith.constant 3 : i32
      %add3A_143 = arith.addi %mul3A_141, %add3A_142 : i32
      %get3A_144 = arith.index_cast %add3A_143 : i32 to index
      %get3A_145 = arith.constant 80 : index
      %get3A_146 = tpu.vector_load %arg9[%get3A_144, %get3A_145] {strides = array<i32>} : memref<128x128xf32, #tpu.memory_space<vmem>>, vector<16xf32>,
      %add3A_147 = arith.addf %add3A_139, %get3A_146 : vector<16xf32>
      %swap3A_148 = arith.index_cast %add3A_76 : i32 to index
      %swap3A_149 = arith.constant 16 : index
      %swap3A_150 = tpu.vector_load %arg8[%swap3A_148, %swap3A_149] {strides = array<i32>} : memref<128x128xf32, #tpu.memory_space<vmem>>, vector<16xf32>,
      tpu.vector_store %arg8[%swap3A_148, %swap3A_149], %add3A_147 {strides = array<i32>} : memref<128x128xf32, #tpu.memory_space<vmem>>, vector<16xf32>,
      %get3A_151 = arith.index_cast %add3A_76 : i32 to index
      %get3A_152 = arith.constant 32 : index
      %get3A_153 = tpu.vector_load %arg8[%get3A_151, %get3A_152] {strides = array<i32>} : memref<128x128xf32, #tpu.memory_space<vmem>>, vector<16xf32>,
      %mul3A_154 = arith.constant 4 : i32
      %mul3A_155 = arith.muli %scan3A_74, %mul3A_154 : i32
      %add3A_156 = arith.constant 0 : i32
      %add3A_157 = arith.addi %mul3A_155, %add3A_156 : i32
      %get3A_158 = arith.index_cast %add3A_157 : i32 to index
      %get3A_159 = arith.constant 96 : index
      %get3A_160 = tpu.vector_load %arg9[%get3A_158, %get3A_159] {strides = array<i32>} : memref<128x128xf32, #tpu.memory_space<vmem>>, vector<16xf32>,
      %add3A_161 = arith.addf %get3A_153, %get3A_160 : vector<16xf32>
      %mul3A_162 = arith.constant 4 : i32
      %mul3A_163 = arith.muli %scan3A_74, %mul3A_162 : i32
      %add3A_164 = arith.constant 1 : i32
      %add3A_165 = arith.addi %mul3A_163, %add3A_164 : i32
      %get3A_166 = arith.index_cast %add3A_165 : i32 to index
      %get3A_167 = arith.constant 96 : index
      %get3A_168 = tpu.vector_load %arg9[%get3A_166, %get3A_167] {strides = array<i32>} : memref<128x128xf32, #tpu.memory_space<vmem>>, vector<16xf32>,
      %add3A_169 = arith.addf %add3A_161, %get3A_168 : vector<16xf32>
      %mul3A_170 = arith.constant 4 : i32
      %mul3A_171 = arith.muli %scan3A_74, %mul3A_170 : i32
      %add3A_172 = arith.constant 2 : i32
      %add3A_173 = arith.addi %mul3A_171, %add3A_172 : i32
      %get3A_174 = arith.index_cast %add3A_173 : i32 to index
      %get3A_175 = arith.constant 96 : index
      %get3A_176 = tpu.vector_load %arg9[%get3A_174, %get3A_175] {strides = array<i32>} : memref<128x128xf32, #tpu.memory_space<vmem>>, vector<16xf32>,
      %add3A_177 = arith.addf %add3A_169, %get3A_176 : vector<16xf32>
      %mul3A_178 = arith.constant 4 : i32
      %mul3A_179 = arith.muli %scan3A_74, %mul3A_178 : i32
      %add3A_180 = arith.constant 3 : i32
      %add3A_181 = arith.addi %mul3A_179, %add3A_180 : i32
      %get3A_182 = arith.index_cast %add3A_181 : i32 to index
      %get3A_183 = arith.constant 96 : index
      %get3A_184 = tpu.vector_load %arg9[%get3A_182, %get3A_183] {strides = array<i32>} : memref<128x128xf32, #tpu.memory_space<vmem>>, vector<16xf32>,
      %add3A_185 = arith.addf %add3A_177, %get3A_184 : vector<16xf32>
      %swap3A_186 = arith.index_cast %add3A_76 : i32 to index
      %swap3A_187 = arith.constant 32 : index
      %swap3A_188 = tpu.vector_load %arg8[%swap3A_186, %swap3A_187] {strides = array<i32>} : memref<128x128xf32, #tpu.memory_space<vmem>>, vector<16xf32>,
      tpu.vector_store %arg8[%swap3A_186, %swap3A_187], %add3A_185 {strides = array<i32>} : memref<128x128xf32, #tpu.memory_space<vmem>>, vector<16xf32>,
      %get3A_189 = arith.index_cast %add3A_76 : i32 to index
      %get3A_190 = arith.constant 48 : index
      %get3A_191 = tpu.vector_load %arg8[%get3A_189, %get3A_190] {strides = array<i32>} : memref<128x128xf32, #tpu.memory_space<vmem>>, vector<16xf32>,
      %mul3A_192 = arith.constant 4 : i32
      %mul3A_193 = arith.muli %scan3A_74, %mul3A_192 : i32
      %add3A_194 = arith.constant 0 : i32
      %add3A_195 = arith.addi %mul3A_193, %add3A_194 : i32
      %get3A_196 = arith.index_cast %add3A_195 : i32 to index
      %get3A_197 = arith.constant 112 : index
      %get3A_198 = tpu.vector_load %arg9[%get3A_196, %get3A_197] {strides = array<i32>} : memref<128x128xf32, #tpu.memory_space<vmem>>, vector<16xf32>,
      %add3A_199 = arith.addf %get3A_191, %get3A_198 : vector<16xf32>
      %mul3A_200 = arith.constant 4 : i32
      %mul3A_201 = arith.muli %scan3A_74, %mul3A_200 : i32
      %add3A_202 = arith.constant 1 : i32
      %add3A_203 = arith.addi %mul3A_201, %add3A_202 : i32
      %get3A_204 = arith.index_cast %add3A_203 : i32 to index
      %get3A_205 = arith.constant 112 : index
      %get3A_206 = tpu.vector_load %arg9[%get3A_204, %get3A_205] {strides = array<i32>} : memref<128x128xf32, #tpu.memory_space<vmem>>, vector<16xf32>,
      %add3A_207 = arith.addf %add3A_199, %get3A_206 : vector<16xf32>
      %mul3A_208 = arith.constant 4 : i32
      %mul3A_209 = arith.muli %scan3A_74, %mul3A_208 : i32
      %add3A_210 = arith.constant 2 : i32
      %add3A_211 = arith.addi %mul3A_209, %add3A_210 : i32
      %get3A_212 = arith.index_cast %add3A_211 : i32 to index
      %get3A_213 = arith.constant 112 : index
      %get3A_214 = tpu.vector_load %arg9[%get3A_212, %get3A_213] {strides = array<i32>} : memref<128x128xf32, #tpu.memory_space<vmem>>, vector<16xf32>,
      %add3A_215 = arith.addf %add3A_207, %get3A_214 : vector<16xf32>
      %mul3A_216 = arith.constant 4 : i32
      %mul3A_217 = arith.muli %scan3A_74, %mul3A_216 : i32
      %add3A_218 = arith.constant 3 : i32
      %add3A_219 = arith.addi %mul3A_217, %add3A_218 : i32
      %get3A_220 = arith.index_cast %add3A_219 : i32 to index
      %get3A_221 = arith.constant 112 : index
      %get3A_222 = tpu.vector_load %arg9[%get3A_220, %get3A_221] {strides = array<i32>} : memref<128x128xf32, #tpu.memory_space<vmem>>, vector<16xf32>,
      %add3A_223 = arith.addf %add3A_215, %get3A_222 : vector<16xf32>
      %swap3A_224 = arith.index_cast %add3A_76 : i32 to index
      %swap3A_225 = arith.constant 48 : index
      %swap3A_226 = tpu.vector_load %arg8[%swap3A_224, %swap3A_225] {strides = array<i32>} : memref<128x128xf32, #tpu.memory_space<vmem>>, vector<16xf32>,
      tpu.vector_store %arg8[%swap3A_224, %swap3A_225], %add3A_223 {strides = array<i32>} : memref<128x128xf32, #tpu.memory_space<vmem>>, vector<16xf32>,
    }
    %scan3A_62 = arith.constant 32 : i32
    %dma_wait3A_63 = arith.constant 384 : i32
    %dma_wait3A_64 = tpu.memref_slice %arg7[%dma_wait3A_63] : memref<512xi32, #tpu.memory_space<vmem>> -> memref<128xi32, #tpu.memory_space<vmem>>
    %dma_wait3A_65 = arith.constant 0 : i32
    %dma_wait3A_66 = arith.constant 0 : i32
    %dma_wait3A_67 = tpu.memref_slice %arg4[%dma_wait3A_65, %dma_wait3A_66] : memref<100352x128xf32, #tpu.memory_space<hbm>> -> memref<100352x128xf32, #tpu.memory_space<hbm>>
    tpu.wait_indirect_dma semaphore(%arg13 : memref<!tpu.dma_semaphore, #tpu.memory_space<semaphore_mem>>) src(%dma_wait3A_67 : memref<100352x128xf32, #tpu.memory_space<hbm>>) dst(%arg10 : memref<128x128xf32, #tpu.memory_space<vmem>>)
    %scan3A_68 = arith.constant 0 : i32
    %scan3A_69 = arith.constant 0 : i32
    %scan3A_70 = arith.constant 32 : i32
    %scan3A_71 = arith.addi %scan3A_69, %scan3A_70 : i32
    %scan3A_72 = arith.constant 1 : i32
    scf.for %scan3A_74 = %scan3A_69 to %scan3A_71 step %scan3A_72  : i32 {
      %add3A_75 = arith.constant 96 : i32
      %add3A_76 = arith.addi %add3A_75, %scan3A_74 : i32
      %get3A = arith.index_cast %add3A_76 : i32 to index
      %get3A_77 = arith.constant 0 : index
      %get3A_78 = tpu.vector_load %arg8[%get3A, %get3A_77] {strides = array<i32>} : memref<128x128xf32, #tpu.memory_space<vmem>>, vector<16xf32>,
      %mul3A_79 = arith.constant 4 : i32
      %mul3A_80 = arith.muli %scan3A_74, %mul3A_79 : i32
      %add3A_81 = arith.constant 0 : i32
      %add3A_82 = arith.addi %mul3A_80, %add3A_81 : i32
      %get3A_83 = arith.index_cast %add3A_82 : i32 to index
      %get3A_84 = arith.constant 64 : index
      %get3A_85 = tpu.vector_load %arg10[%get3A_83, %get3A_84] {strides = array<i32>} : memref<128x128xf32, #tpu.memory_space<vmem>>, vector<16xf32>,
      %add3A_86 = arith.addf %get3A_78, %get3A_85 : vector<16xf32>
      %mul3A_87 = arith.constant 4 : i32
      %mul3A_88 = arith.muli %scan3A_74, %mul3A_87 : i32
      %add3A_89 = arith.constant 1 : i32
      %add3A_90 = arith.addi %mul3A_88, %add3A_89 : i32
      %get3A_91 = arith.index_cast %add3A_90 : i32 to index
      %get3A_92 = arith.constant 64 : index
      %get3A_93 = tpu.vector_load %arg10[%get3A_91, %get3A_92] {strides = array<i32>} : memref<128x128xf32, #tpu.memory_space<vmem>>, vector<16xf32>,
      %add3A_94 = arith.addf %add3A_86, %get3A_93 : vector<16xf32>
      %mul3A_95 = arith.constant 4 : i32
      %mul3A_96 = arith.muli %scan3A_74, %mul3A_95 : i32
      %add3A_97 = arith.constant 2 : i32
      %add3A_98 = arith.addi %mul3A_96, %add3A_97 : i32
      %get3A_99 = arith.index_cast %add3A_98 : i32 to index
      %get3A_100 = arith.constant 64 : index
      %get3A_101 = tpu.vector_load %arg10[%get3A_99, %get3A_100] {strides = array<i32>} : memref<128x128xf32, #tpu.memory_space<vmem>>, vector<16xf32>,
      %add3A_102 = arith.addf %add3A_94, %get3A_101 : vector<16xf32>
      %mul3A_103 = arith.constant 4 : i32
      %mul3A_104 = arith.muli %scan3A_74, %mul3A_103 : i32
      %add3A_105 = arith.constant 3 : i32
      %add3A_106 = arith.addi %mul3A_104, %add3A_105 : i32
      %get3A_107 = arith.index_cast %add3A_106 : i32 to index
      %get3A_108 = arith.constant 64 : index
      %get3A_109 = tpu.vector_load %arg10[%get3A_107, %get3A_108] {strides = array<i32>} : memref<128x128xf32, #tpu.memory_space<vmem>>, vector<16xf32>,
      %add3A_110 = arith.addf %add3A_102, %get3A_109 : vector<16xf32>
      %swap3A = arith.index_cast %add3A_76 : i32 to index
      %swap3A_111 = arith.constant 0 : index
      %swap3A_112 = tpu.vector_load %arg8[%swap3A, %swap3A_111] {strides = array<i32>} : memref<128x128xf32, #tpu.memory_space<vmem>>, vector<16xf32>,
      tpu.vector_store %arg8[%swap3A, %swap3A_111], %add3A_110 {strides = array<i32>} : memref<128x128xf32, #tpu.memory_space<vmem>>, vector<16xf32>,
      %get3A_113 = arith.index_cast %add3A_76 : i32 to index
      %get3A_114 = arith.constant 16 : index
      %get3A_115 = tpu.vector_load %arg8[%get3A_113, %get3A_114] {strides = array<i32>} : memref<128x128xf32, #tpu.memory_space<vmem>>, vector<16xf32>,
      %mul3A_116 = arith.constant 4 : i32
      %mul3A_117 = arith.muli %scan3A_74, %mul3A_116 : i32
      %add3A_118 = arith.constant 0 : i32
      %add3A_119 = arith.addi %mul3A_117, %add3A_118 : i32
      %get3A_120 = arith.index_cast %add3A_119 : i32 to index
      %get3A_121 = arith.constant 80 : index
      %get3A_122 = tpu.vector_load %arg10[%get3A_120, %get3A_121] {strides = array<i32>} : memref<128x128xf32, #tpu.memory_space<vmem>>, vector<16xf32>,
      %add3A_123 = arith.addf %get3A_115, %get3A_122 : vector<16xf32>
      %mul3A_124 = arith.constant 4 : i32
      %mul3A_125 = arith.muli %scan3A_74, %mul3A_124 : i32
      %add3A_126 = arith.constant 1 : i32
      %add3A_127 = arith.addi %mul3A_125, %add3A_126 : i32
      %get3A_128 = arith.index_cast %add3A_127 : i32 to index
      %get3A_129 = arith.constant 80 : index
      %get3A_130 = tpu.vector_load %arg10[%get3A_128, %get3A_129] {strides = array<i32>} : memref<128x128xf32, #tpu.memory_space<vmem>>, vector<16xf32>,
      %add3A_131 = arith.addf %add3A_123, %get3A_130 : vector<16xf32>
      %mul3A_132 = arith.constant 4 : i32
      %mul3A_133 = arith.muli %scan3A_74, %mul3A_132 : i32
      %add3A_134 = arith.constant 2 : i32
      %add3A_135 = arith.addi %mul3A_133, %add3A_134 : i32
      %get3A_136 = arith.index_cast %add3A_135 : i32 to index
      %get3A_137 = arith.constant 80 : index
      %get3A_138 = tpu.vector_load %arg10[%get3A_136, %get3A_137] {strides = array<i32>} : memref<128x128xf32, #tpu.memory_space<vmem>>, vector<16xf32>,
      %add3A_139 = arith.addf %add3A_131, %get3A_138 : vector<16xf32>
      %mul3A_140 = arith.constant 4 : i32
      %mul3A_141 = arith.muli %scan3A_74, %mul3A_140 : i32
      %add3A_142 = arith.constant 3 : i32
      %add3A_143 = arith.addi %mul3A_141, %add3A_142 : i32
      %get3A_144 = arith.index_cast %add3A_143 : i32 to index
      %get3A_145 = arith.constant 80 : index
      %get3A_146 = tpu.vector_load %arg10[%get3A_144, %get3A_145] {strides = array<i32>} : memref<128x128xf32, #tpu.memory_space<vmem>>, vector<16xf32>,
      %add3A_147 = arith.addf %add3A_139, %get3A_146 : vector<16xf32>
      %swap3A_148 = arith.index_cast %add3A_76 : i32 to index
      %swap3A_149 = arith.constant 16 : index
      %swap3A_150 = tpu.vector_load %arg8[%swap3A_148, %swap3A_149] {strides = array<i32>} : memref<128x128xf32, #tpu.memory_space<vmem>>, vector<16xf32>,
      tpu.vector_store %arg8[%swap3A_148, %swap3A_149], %add3A_147 {strides = array<i32>} : memref<128x128xf32, #tpu.memory_space<vmem>>, vector<16xf32>,
      %get3A_151 = arith.index_cast %add3A_76 : i32 to index
      %get3A_152 = arith.constant 32 : index
      %get3A_153 = tpu.vector_load %arg8[%get3A_151, %get3A_152] {strides = array<i32>} : memref<128x128xf32, #tpu.memory_space<vmem>>, vector<16xf32>,
      %mul3A_154 = arith.constant 4 : i32
      %mul3A_155 = arith.muli %scan3A_74, %mul3A_154 : i32
      %add3A_156 = arith.constant 0 : i32
      %add3A_157 = arith.addi %mul3A_155, %add3A_156 : i32
      %get3A_158 = arith.index_cast %add3A_157 : i32 to index
      %get3A_159 = arith.constant 96 : index
      %get3A_160 = tpu.vector_load %arg10[%get3A_158, %get3A_159] {strides = array<i32>} : memref<128x128xf32, #tpu.memory_space<vmem>>, vector<16xf32>,
      %add3A_161 = arith.addf %get3A_153, %get3A_160 : vector<16xf32>
      %mul3A_162 = arith.constant 4 : i32
      %mul3A_163 = arith.muli %scan3A_74, %mul3A_162 : i32
      %add3A_164 = arith.constant 1 : i32
      %add3A_165 = arith.addi %mul3A_163, %add3A_164 : i32
      %get3A_166 = arith.index_cast %add3A_165 : i32 to index
      %get3A_167 = arith.constant 96 : index
      %get3A_168 = tpu.vector_load %arg10[%get3A_166, %get3A_167] {strides = array<i32>} : memref<128x128xf32, #tpu.memory_space<vmem>>, vector<16xf32>,
      %add3A_169 = arith.addf %add3A_161, %get3A_168 : vector<16xf32>
      %mul3A_170 = arith.constant 4 : i32
      %mul3A_171 = arith.muli %scan3A_74, %mul3A_170 : i32
      %add3A_172 = arith.constant 2 : i32
      %add3A_173 = arith.addi %mul3A_171, %add3A_172 : i32
      %get3A_174 = arith.index_cast %add3A_173 : i32 to index
      %get3A_175 = arith.constant 96 : index
      %get3A_176 = tpu.vector_load %arg10[%get3A_174, %get3A_175] {strides = array<i32>} : memref<128x128xf32, #tpu.memory_space<vmem>>, vector<16xf32>,
      %add3A_177 = arith.addf %add3A_169, %get3A_176 : vector<16xf32>
      %mul3A_178 = arith.constant 4 : i32
      %mul3A_179 = arith.muli %scan3A_74, %mul3A_178 : i32
      %add3A_180 = arith.constant 3 : i32
      %add3A_181 = arith.addi %mul3A_179, %add3A_180 : i32
      %get3A_182 = arith.index_cast %add3A_181 : i32 to index
      %get3A_183 = arith.constant 96 : index
      %get3A_184 = tpu.vector_load %arg10[%get3A_182, %get3A_183] {strides = array<i32>} : memref<128x128xf32, #tpu.memory_space<vmem>>, vector<16xf32>,
      %add3A_185 = arith.addf %add3A_177, %get3A_184 : vector<16xf32>
      %swap3A_186 = arith.index_cast %add3A_76 : i32 to index
      %swap3A_187 = arith.constant 32 : index
      %swap3A_188 = tpu.vector_load %arg8[%swap3A_186, %swap3A_187] {strides = array<i32>} : memref<128x128xf32, #tpu.memory_space<vmem>>, vector<16xf32>,
      tpu.vector_store %arg8[%swap3A_186, %swap3A_187], %add3A_185 {strides = array<i32>} : memref<128x128xf32, #tpu.memory_space<vmem>>, vector<16xf32>,
      %get3A_189 = arith.index_cast %add3A_76 : i32 to index
      %get3A_190 = arith.constant 48 : index
      %get3A_191 = tpu.vector_load %arg8[%get3A_189, %get3A_190] {strides = array<i32>} : memref<128x128xf32, #tpu.memory_space<vmem>>, vector<16xf32>,
      %mul3A_192 = arith.constant 4 : i32
      %mul3A_193 = arith.muli %scan3A_74, %mul3A_192 : i32
      %add3A_194 = arith.constant 0 : i32
      %add3A_195 = arith.addi %mul3A_193, %add3A_194 : i32
      %get3A_196 = arith.index_cast %add3A_195 : i32 to index
      %get3A_197 = arith.constant 112 : index
      %get3A_198 = tpu.vector_load %arg10[%get3A_196, %get3A_197] {strides = array<i32>} : memref<128x128xf32, #tpu.memory_space<vmem>>, vector<16xf32>,
      %add3A_199 = arith.addf %get3A_191, %get3A_198 : vector<16xf32>
      %mul3A_200 = arith.constant 4 : i32
      %mul3A_201 = arith.muli %scan3A_74, %mul3A_200 : i32
      %add3A_202 = arith.constant 1 : i32
      %add3A_203 = arith.addi %mul3A_201, %add3A_202 : i32
      %get3A_204 = arith.index_cast %add3A_203 : i32 to index
      %get3A_205 = arith.constant 112 : index
      %get3A_206 = tpu.vector_load %arg10[%get3A_204, %get3A_205] {strides = array<i32>} : memref<128x128xf32, #tpu.memory_space<vmem>>, vector<16xf32>,
      %add3A_207 = arith.addf %add3A_199, %get3A_206 : vector<16xf32>
      %mul3A_208 = arith.constant 4 : i32
      %mul3A_209 = arith.muli %scan3A_74, %mul3A_208 : i32
      %add3A_210 = arith.constant 2 : i32
      %add3A_211 = arith.addi %mul3A_209, %add3A_210 : i32
      %get3A_212 = arith.index_cast %add3A_211 : i32 to index
      %get3A_213 = arith.constant 112 : index
      %get3A_214 = tpu.vector_load %arg10[%get3A_212, %get3A_213] {strides = array<i32>} : memref<128x128xf32, #tpu.memory_space<vmem>>, vector<16xf32>,
      %add3A_215 = arith.addf %add3A_207, %get3A_214 : vector<16xf32>
      %mul3A_216 = arith.constant 4 : i32
      %mul3A_217 = arith.muli %scan3A_74, %mul3A_216 : i32
      %add3A_218 = arith.constant 3 : i32
      %add3A_219 = arith.addi %mul3A_217, %add3A_218 : i32
      %get3A_220 = arith.index_cast %add3A_219 : i32 to index
      %get3A_221 = arith.constant 112 : index
      %get3A_222 = tpu.vector_load %arg10[%get3A_220, %get3A_221] {strides = array<i32>} : memref<128x128xf32, #tpu.memory_space<vmem>>, vector<16xf32>,
      %add3A_223 = arith.addf %add3A_215, %get3A_222 : vector<16xf32>
      %swap3A_224 = arith.index_cast %add3A_76 : i32 to index
      %swap3A_225 = arith.constant 48 : index
      %swap3A_226 = tpu.vector_load %arg8[%swap3A_224, %swap3A_225] {strides = array<i32>} : memref<128x128xf32, #tpu.memory_space<vmem>>, vector<16xf32>,
      tpu.vector_store %arg8[%swap3A_224, %swap3A_225], %add3A_223 {strides = array<i32>} : memref<128x128xf32, #tpu.memory_space<vmem>>, vector<16xf32>,
    }
    %scan3A_73 = arith.constant 32 : i32
    "tpu.region"() ({
      %run_scoped3A = tpu.sem_alloc : memref<!tpu.dma_semaphore, #tpu.memory_space<semaphore_mem>>
      %dma_start3A_74 = arith.constant 0 : i32
      %dma_start3A_75 = tpu.memref_slice %arg5[%mul3A_2, %dma_start3A_74] : memref<4096x128xf32, #tpu.memory_space<hbm>> -> memref<128x128xf32, #tpu.memory_space<hbm>>
      %dma_start3A_76 = arith.constant 0 : i32
      %dma_start3A_77 = tpu.memref_slice %arg5[%mul3A_2, %dma_start3A_76] : memref<4096x128xf32, #tpu.memory_space<hbm>> -> memref<128x128xf32, #tpu.memory_space<hbm>>
      tpu.enqueue_dma source(%arg8 : memref<128x128xf32, #tpu.memory_space<vmem>>) target(%dma_start3A_77 : memref<128x128xf32, #tpu.memory_space<hbm>>) target_semaphore(%run_scoped3A : memref<!tpu.dma_semaphore, #tpu.memory_space<semaphore_mem>>)
      %dma_wait3A_78 = arith.constant 0 : i32
      %dma_wait3A_79 = tpu.memref_slice %arg5[%mul3A_2, %dma_wait3A_78] : memref<4096x128xf32, #tpu.memory_space<hbm>> -> memref<128x128xf32, #tpu.memory_space<hbm>>
      %dma_wait3A_80 = arith.constant 0 : i32
      %dma_wait3A_81 = tpu.memref_slice %arg5[%mul3A_2, %dma_wait3A_80] : memref<4096x128xf32, #tpu.memory_space<hbm>> -> memref<128x128xf32, #tpu.memory_space<hbm>>
      tpu.wait_dma2 semaphore(%run_scoped3A : memref<!tpu.dma_semaphore, #tpu.memory_space<semaphore_mem>>) src(%arg8 : memref<128x128xf32, #tpu.memory_space<vmem>>) dst(%dma_wait3A_81 : memref<128x128xf32, #tpu.memory_space<hbm>>)
      tpu.yield
    }) : () -> ()
    return
  }
}

module attributes {stable_mosaic.version = 14 : i64} {
  func.func @_dw_body(%arg0: i32, %arg1: memref<64x2048xf32, #tpu.memory_space<vmem>>, %arg2: memref<64x2048xf32, #tpu.memory_space<vmem>>, %arg3: memref<2048x128xf32, #tpu.memory_space<vmem>>) attributes {dimension_semantics = [#tpu.dimension_semantics<arbitrary>], iteration_bounds = array<i64: 49>, scalar_prefetch = 0 : i64, scratch_operands = 0 : i64, tpu.core_type = #tpu.core_type<tc>, window_params = [{transform_indices = @transform_0, window_bounds = array<i64: 64, 2048>}, {transform_indices = @transform_1, window_bounds = array<i64: 64, 2048>}, {transform_indices = @transform_2, window_bounds = array<i64: 2048, 128>}]} {
    %get3A = arith.constant 0 : index
    %get3A_0 = arith.constant 0 : index
    %get3A_1 = vector.load %arg1[%get3A, %get3A_0] : memref<64x2048xf32, #tpu.memory_space<vmem>>, vector<64x2048xf32>
    %transpose3A = tpu.transpose %get3A_1, [1, 0] : vector<64x2048xf32> -> vector<2048x64xf32>
    %swap3A = arith.constant 0 : index
    %swap3A_2 = arith.constant 0 : index
    %swap3A_3 = vector.load %arg3[%swap3A, %swap3A_2] : memref<2048x128xf32, #tpu.memory_space<vmem>>, vector<2048x64xf32>
    tpu.vector_store %arg3[%swap3A, %swap3A_2], %transpose3A {strides = array<i32>} : memref<2048x128xf32, #tpu.memory_space<vmem>>, vector<2048x64xf32>,
    %get3A_4 = arith.constant 0 : index
    %get3A_5 = arith.constant 0 : index
    %get3A_6 = vector.load %arg2[%get3A_4, %get3A_5] : memref<64x2048xf32, #tpu.memory_space<vmem>>, vector<64x2048xf32>
    %transpose3A_7 = tpu.transpose %get3A_6, [1, 0] : vector<64x2048xf32> -> vector<2048x64xf32>
    %swap3A_8 = arith.constant 0 : index
    %swap3A_9 = arith.constant 64 : index
    %swap3A_10 = vector.load %arg3[%swap3A_8, %swap3A_9] : memref<2048x128xf32, #tpu.memory_space<vmem>>, vector<2048x64xf32>
    tpu.vector_store %arg3[%swap3A_8, %swap3A_9], %transpose3A_7 {strides = array<i32>} : memref<2048x128xf32, #tpu.memory_space<vmem>>, vector<2048x64xf32>,
    return
  }
  func.func @transform_0(%arg0: i32) -> (i32, i32) {
    %c0_i32 = arith.constant 0 : i32
    %c0_i32_0 = arith.constant 0 : i32
    return %c0_i32, %arg0 : i32, i32
  }
  func.func @transform_1(%arg0: i32) -> (i32, i32) {
    %c0_i32 = arith.constant 0 : i32
    %c0_i32_0 = arith.constant 0 : i32
    return %c0_i32, %arg0 : i32, i32
  }
  func.func @transform_2(%arg0: i32) -> (i32, i32) {
    %c0_i32 = arith.constant 0 : i32
    %c0_i32_0 = arith.constant 0 : i32
    return %arg0, %c0_i32 : i32, i32
  }
}

module attributes {stable_mosaic.version = 14 : i64} {
  func.func @_transpose_body(%arg0: i32, %arg1: memref<64x2048xf32, #tpu.memory_space<vmem>>, %arg2: memref<2048x128xf32, #tpu.memory_space<vmem>>) attributes {dimension_semantics = [#tpu.dimension_semantics<arbitrary>], iteration_bounds = array<i64: 49>, scalar_prefetch = 0 : i64, scratch_operands = 0 : i64, tpu.core_type = #tpu.core_type<tc>, window_params = [{transform_indices = @transform_0, window_bounds = array<i64: 64, 2048>}, {transform_indices = @transform_1, window_bounds = array<i64: 2048, 128>}]} {
    %get3A = arith.constant 0 : index
    %get3A_0 = arith.constant 0 : index
    %get3A_1 = vector.load %arg1[%get3A, %get3A_0] : memref<64x2048xf32, #tpu.memory_space<vmem>>, vector<64x2048xf32>
    %transpose3A = tpu.transpose %get3A_1, [1, 0] : vector<64x2048xf32> -> vector<2048x64xf32>
    %swap3A = arith.constant 0 : index
    %swap3A_2 = arith.constant 0 : index
    %swap3A_3 = vector.load %arg2[%swap3A, %swap3A_2] : memref<2048x128xf32, #tpu.memory_space<vmem>>, vector<2048x64xf32>
    tpu.vector_store %arg2[%swap3A, %swap3A_2], %transpose3A {strides = array<i32>} : memref<2048x128xf32, #tpu.memory_space<vmem>>, vector<2048x64xf32>,
    return
  }
  func.func @transform_0(%arg0: i32) -> (i32, i32) {
    %c0_i32 = arith.constant 0 : i32
    %c0_i32_0 = arith.constant 0 : i32
    return %c0_i32, %arg0 : i32, i32
  }
  func.func @transform_1(%arg0: i32) -> (i32, i32) {
    %c0_i32 = arith.constant 0 : i32
    %c0_i32_0 = arith.constant 0 : i32
    return %arg0, %c0_i32 : i32, i32
  }
}

</mosaic_0001>

<sc_bundles>
// kernel: kernel.6.cloned.1.call-start
scs
__scs_entry_jumppad:
0x0: {  	(pc) =	sbr.rel $0x88, $3  }
0x1: {  	(tag) =	ssettag $0x0;
	lr =	simm.s32 $0x1  }
0x2: {  	[smem:$0x3F9B] =	sst lr;
	_ =	strace $0xD0000000  }
0x3: {  	_ = 	snop  }
0x4: {  	_ = 	snop  }
0x5: {  	_ = 	snop  }
0x6: {  	_ = 	snop  }
0x7: {  	_ = 	snop  }
__scs_overlays_trampoline_lowered:
0x8: {  	[smem:$0x3FAA] =	sst s0  }
0x9: {  	[smem:$0x3FAB] =	sst s1  }
0xa: {  	[smem:$0x3FAC] =	sst s2  }
0xb: {  	[smem:$0x3FAD] =	sst s3  }
0xc: {  	[smem:$0x3FAE] =	sst s4  }
0xd: {  	[smem:$0x3FAF] =	sst s5  }
0xe: {  	[smem:$0x3FB0] =	sst s6  }
0xf: {  	[smem:$0x3FB1] =	sst s7  }
0x10: {  	[smem:$0x3FB2] =	sst s8  }
0x11: {  	[smem:$0x3FB3] =	sst s9;
	s0 =	simm.s32 @!p0 $0x0  }
0x12: {  	s1 =	sld [smem:$0x3F99];
	s0 =	simm.s32 @p0 $0x1  }
0x13: {  	[smem:$0x3FB4] =	sst s0;
	s0 =	simm.s32 @!p1 $0x0  }
0x14: {  	s2 =	sld [smem:$0x3F98];
	s0 =	simm.s32 @p1 $0x1  }
0x15: {  	[smem:$0x3FB5] =	sst s0;
	s0 =	simm.s32 @!p2 $0x0  }
0x16: {  	s3 =	sld [smem:$0x3FDB];
	s0 =	simm.s32 @p2 $0x1  }
0x17: {  	s4 =	simm.s32 $0x1BF5;
	[smem:$0x3FB7] =	sst s0  }
0x18: {  	s0 =	sld [smem:$0x3F9A];
	_ =	swait.ge [sflag:s4], $0x0  }
0x19: {  	s7 =	sld [smem:$0x3F9B]  }
0x1a: {  	s8 =	sadd.s32 $0xFFFFE003, lr  }
0x1b: {  	s9 =	sadd.s32 $0xFFFFFEF7, lr;
	s5 =	simm.s32 $0xFFFFFFFF;
	p2 =	slt.u32 s8, $0xFFFFF086  }
0x1c: {  	p1 =	slt.u32 s9, $0xF7A;
	s5 =	simm.s32 @!p2 $0x0  }
0x1d: {  	s5 =	simm.s32 @p1 $0x1;
	p0 =	seq.s32 s7, s2  }
0x1e: {  	s7 =	smul.u32 @!p0 $0xF7A, s2;
	p2 =	seq.s32 @!p0 s5, $0x0  }
0x1f: {  	s9 =	smul.u32 $0xF7A, s1;
	s8 =	simm.s32 @!p0 $0x1BF5;
	p2 =	por !p2, p0  }
0x20: {  	[sflag:s8] =	ssyncset.s32 @!p0 $0xFFFFF086;
	s6 =	sadd.s32 @!p0 s3, s7;
	s7 =	simm.s32 @!p0 $0x108  }
0x21: {  	s3 =	sadd.s32 s3, s9;
	s6 =	sadd.s32 @!p0 $0x88, s6;
	s7 =	simm.s32 @p2 $0x1082  }
0x22: {  	[simem:s7], [sflag:s8] =	dma.local @!p0 [hbm:s6], $0xF7A  }
0x23: {  	s9 =	sor.u32 $0xD0000000, s2;
	s6 =	simm.s32 $0x108;
	_ =	swait.ge @!p0 [sflag:s8], $0x0  }
0x24: {  	s3 =	sadd.s32 $0x88, s3;
	s6 =	simm.s32 @!p1 $0x1082;
	[sflag:s4] =	ssyncset.s32 $0xFFFFF086  }
0x25: {  	[simem:s6], [sflag:s4] =	dma.local [hbm:s3], $0xF7A  }
0x26: {  	[smem:$0x3F9B] =	sst s1;
	(tag) =	ssettag s2;
	_ =	strace s9  }
0x27: {  	s1 =	sld [smem:$0x3FAB]  }
0x28: {  	s2 =	sld [smem:$0x3FAC]  }
0x29: {  	s4 =	sld [smem:$0x3FAE]  }
0x2a: {  	p0 =	seq.s32 s5, $0x0;
	s5 =	sld [smem:$0x3FAF]  }
0x2b: {  	s6 =	sld [smem:$0x3FB0]  }
0x2c: {  	s7 =	sld [smem:$0x3FB1]  }
0x2d: {  	s3 =	simm.s32 $0x108;
	s8 =	sld [smem:$0x3FB2]  }
0x2e: {  	s3 =	simm.s32 @!p0 $0x1082;
	s9 =	sld [smem:$0x3FB3]  }
0x2f: {  	lr =	sadd.s32 s0, s3;
	s0 =	sld [smem:$0x3FAA]  }
0x30: {  	s3 =	sld [smem:$0x3FAD]  }
0x31: {  	[smem:$0x3FB6] =	sst s10  }
0x32: {  	s10 =	sld [smem:$0x3FB4];
	_ =	sdelay $0x3  }
0x33: {  	p0 =	seq.s32 s10, $0x1;
	s10 =	sld [smem:$0x3FB6];
	_ =	sdelay $0x3  }
0x34: {  	[smem:$0x3FB6] =	sst s10  }
0x35: {  	s10 =	sld [smem:$0x3FB5];
	_ =	sdelay $0x3  }
0x36: {  	p1 =	seq.s32 s10, $0x1;
	s10 =	sld [smem:$0x3FB6];
	_ =	sdelay $0x3  }
0x37: {  	[smem:$0x3FB6] =	sst s10  }
0x38: {  	s10 =	sld [smem:$0x3FB7]  }
0x39: {  	_ = 	snop;
	(pc) =	sbr.ind lr, $3  }
0x3a: {  	_ = 	snop  }
0x3b: {  	_ = 	snop  }
0x3c: {  	p2 =	seq.s32 s10, $0x1;
	s10 =	sld [smem:$0x3FB6]  }
0x3d: {  	_ =	shalt  }
0x3e: {  	_ =	shalt  }
0x3f: {  	_ =	shalt  }
0x40: {  	_ =	shalt  }
0x41: {  	_ =	shalt  }
0x42: {  	_ =	shalt  }
0x43: {  	_ =	shalt  }
0x44: {  	_ =	shalt  }
0x45: {  	_ =	shalt  }
0x46: {  	_ =	shalt  }
0x47: {  	_ =	shalt  }
0x48: {  	_ =	shalt  }
0x49: {  	_ =	shalt  }
0x4a: {  	_ =	shalt  }
0x4b: {  	_ =	shalt  }
0x4c: {  	_ =	shalt  }
0x4d: {  	_ =	shalt  }
0x4e: {  	_ =	shalt  }
0x4f: {  	_ =	shalt  }
0x50: {  	_ =	shalt  }
0x51: {  	_ =	shalt  }
0x52: {  	_ =	shalt  }
0x53: {  	_ =	shalt  }
0x54: {  	_ =	shalt  }
0x55: {  	_ =	shalt  }
0x56: {  	_ =	shalt  }
0x57: {  	_ =	shalt  }
0x58: {  	_ =	shalt  }
0x59: {  	_ =	shalt  }
0x5a: {  	_ =	shalt  }
0x5b: {  	_ =	shalt  }
0x5c: {  	_ =	shalt  }
0x5d: {  	_ =	shalt  }
0x5e: {  	_ =	shalt  }
0x5f: {  	_ =	shalt  }
0x60: {  	_ =	shalt  }
0x61: {  	_ =	shalt  }
0x62: {  	_ =	shalt  }
0x63: {  	_ =	shalt  }
0x64: {  	_ =	shalt  }
0x65: {  	_ =	shalt  }
0x66: {  	_ =	shalt  }
0x67: {  	_ =	shalt  }
0x68: {  	_ =	shalt  }
0x69: {  	_ =	shalt  }
0x6a: {  	_ =	shalt  }
0x6b: {  	_ =	shalt  }
0x6c: {  	_ =	shalt  }
0x6d: {  	_ =	shalt  }
0x6e: {  	_ =	shalt  }
0x6f: {  	_ =	shalt  }
0x70: {  	_ =	shalt  }
0x71: {  	_ =	shalt  }
0x72: {  	_ =	shalt  }
0x73: {  	_ =	shalt  }
0x74: {  	_ =	shalt  }
0x75: {  	_ =	shalt  }
0x76: {  	_ =	shalt  }
0x77: {  	_ =	shalt  }
0x78: {  	_ =	shalt  }
0x79: {  	_ =	shalt  }
0x7a: {  	_ =	shalt  }
0x7b: {  	_ =	shalt  }
0x7c: {  	_ =	shalt  }
0x7d: {  	_ =	shalt  }
0x7e: {  	_ =	shalt  }
0x7f: {  	_ =	shalt  }
0x80: {  	_ =	shalt  }
0x81: {  	_ =	shalt  }
0x82: {  	_ =	shalt  }
0x83: {  	_ =	shalt  }
0x84: {  	_ =	shalt  }
0x85: {  	_ =	shalt  }
0x86: {  	_ =	shalt  }
0x87: {  	_ =	shalt  }
.Lfunc_end0:
.L_simem_size_0:
called_computation_lowered:
.L_overlay_start_0:
0x88: {  	s2 =	sld [smem:$0x3FD9]  }
0x89: {  	s3 =	sld [smem:$0x3FFE];
	_ =	sdelay $0x1  }
0x8a: {  	s1 =	srdreg.scid  }
0x8b: {  	s0 =	sand.u32 $0x1, s1  }
0x8c: {  	s17 =	sshll.u32 s0, $0xA;
	s2 =	sadd.s32 s3, s2  }
0x8d: {  	s2 =	sadd.s32 s2, s17  }
0x8e: {  	[smem:$0x3FC2] =	sst s2  }
0x8f: {  	_ = 	snop  }
0x90: {  	s2 =	sld [smem:$0x3FC8];
	(tm) =	ssettm $0x1  }
0x91: {  	s18 =	sld [smem:$0x3FFB];
	_ =	sdelay $0x3  }
0x92: {  	_ =	strace s18  }
0x93: {  	s3 =	sld [smem:$0x3FFC];
	_ =	sdelay $0x3  }
0x94: {  	_ =	strace s3  }
0x95: {  	s3 =	sld [smem:$0x3FFD];
	_ =	sdelay $0x3  }
0x96: {  	_ =	strace s3  }
0x97: {  	_ =	strace $0x8FFFFFFF  }
0x98: {  	s19 =	sld [smem:$0x3FDB];
	_ =	sdelay $0x1  }
0x99: {  	s4 =	simm.s32 $_scs_section_size  }
0x9a: {  	s5 =	simm.s32 $_size__tile_overlayer_lowered;
	s6 =	simm.s32 $_tile_overlayer_lowered  }
0x9b: {  	s22 =	simm.s32 $0x1BFF;
	s21 =	sshll.u32 s6, $0x1;
	s3 =	sadd.s32 s4, s19  }
0x9c: {  	s7 =	simm.s32 $0x0;
	s20 =	sshll.u32 s5, $0x1;
	s5 =	sadd.s32 s21, s3  }
0x9d: {  	[timem:s7], [sflag:s22] =	dma.local [hbm:s5], s20  }
0x9e: {  	_ =	swait.ge [sflag:s22], s20  }
0x9f: {  	s4 =	ssub.s32 $0x0, s20;
	[sflag:s22] =	ssyncset.done $0x0  }
0xa0: {  	[sflag:s22] =	ssyncadd.s32 s4;
	_ =	sdelay $0x1  }
0xa1: {  	s23 =	simm.s32 $0x1B8B  }
0xa2: {  	_ =	swait.ge [sflag:s23], $0x1  }
0xa3: {  	[sflag:s23] =	ssyncset.done $0x0  }
0xa4: {  	s25 =	simm.s32 $0x1B8E;
	s24 =	sld [smem:$0x3FFE];
	[sflag:s23] =	ssyncadd.s32 $0xFFFFFFFF  }
0xa5: {  	s26 =	simm.s32 $execute0_lowered;
	[smem:$0x3FD2] =	sst s25  }
0xa6: {  	s5 =	sshll.u32 s26, $0x1;
	_ =	strace $0x80000046;
	[dreg:$0x1] =	wrdreg $0xFFFFFFFF  }
0xa7: {  	s28 =	simm.s32 $_size_execute0_lowered;
	s3 =	sadd.s32 s3, s5;
	[dreg:$0x0] =	wrdreg $0x0  }
0xa8: {  	s5 =	sshll.u32 s28, $0x1;
	[dreg:$0x2] =	wrdreg s3  }
0xa9: {  	[dreg:$0x3] =	wrdreg s5  }
0xaa: {  	[dreg:$0x4] =	wrdreg $0xC0  }
0xab: {  	_ =	task [dreg:s7], $0x5FFFF  }
0xac: {  	[dreg:$0x1] =	wrdreg $0xFFFFFFFF  }
0xad: {  	[dreg:$0x0] =	wrdreg $0x60  }
0xae: {  	[dreg:$0x2] =	wrdreg s24  }
0xaf: {  	[dreg:$0x3] =	wrdreg s2  }
0xb0: {  	[dreg:$0x4] =	wrdreg $0x9  }
0xb1: {  	_ =	task.clear_ibuf [dreg:s7], $0x5FFFF;
	_ =	strace $0x90000046  }
0xb2: {  	s29 =	simm.s32 $0x9;
	_ =	strace $0x80000048  }
0xb3: {  	_ =	swait.ge [sflag:s29], $0x1  }
0xb4: {  	[sflag:s29] =	ssyncadd.s32 $0xFFFFFFFF  }
0xb5: {  	_ =	strace $0x90000048  }
0xb6: {  	_ =	sfence  }
0xb7: {  	s30 =	sld [smem:$0x0];
	_ =	sdelay $0x2  }
0xb8: {  	s31 =	sshll.u32 s1, $0xD;
	s1 =	sshrl.u32 s1, $0x2  }
0xb9: {  	s3 =	sand.u32 $0x4000, s31;
	s1 =	sadd.s32 s1, s30  }
0xba: {  	s0 =	sor.u32 s3, s0;
	s1 =	sshll.u32 s1, $0x11  }
0xbb: {  	s0 =	sor.u32 s1, s0  }
0xbc: {  	s0 =	sadd.s32 $0x8F2B, s0  }
0xbd: {  	[sflag:s0] =	ssyncadd.remote.s32 $0x1  }
0xbe: {  	_ =	sfence.sel $0xFFFF  }
0xbf: {  	[dreg:$0x0] =	wrdreg $0xFFFFFFFF;
	(pc) =	sbr.abs _section_cstart, $3  }
0xc0: {  	[dreg:$0x1] =	wrdreg $0xFFFFFFFF  }
0xc1: {  	_ =	task.clear_ibuf [dreg:s7], $0x2FFFF;
	_ =	strace $0x9FFFFFFF  }
0xc2: {  	(tm) =	ssettm $0x7FFFFFFF  }
0xc3: {  	_ =	shalt  }
tec
execute0_lowered:
.L_overlay_start_1:
0x0: {  	(tag) =	ssettag $0x1  }
0x1: {  	s4 =	rddreg [dreg:$0x0]  }
0x2: {  	s5 =	rddreg [dreg:$0x1]  }
0x3: {  	s0 =	rddreg [dreg:$0x2]  }
0x4: {  	s3 =	srdreg.scid;
	s1 =	stileid.u32;
	s2 =	simm.s32 $0x0  }
0x5: {  	s11 =	simm.s32 $0x4280;
	s12 =	simm.s32 $0x100;
	s13 =	simm.s32 $0x8280  }
0x6: {  	s14 =	simm.s32 $0x1;
	s15 =	simm.s32 $0x2;
	s16 =	simm.s32 $0x180  }
0x7: {  	s17 =	simm.s32 $0x3;
	s18 =	simm.s32 $0x200;
	s19 =	simm.s32 $0x0  }
0x8: {  	s6 =	sand.u32 $0x1, s3;
	s31 =	sshll.u32 s1, $0x1;
	[smem:$0x7FF] =	sst s2  }
0x9: {  	s7 =	sor.u32 s6, s31;
	_ =	strace $0x80000047;
	s6 =	ssub.s32 $0x2, s6  }
0xa: {  	s3 =	sshll.u32 s7, $0x6;
	s9 =	sshll.u32 s7, $0xB;
	s10 =	sshrl.u32 s6, $0x1  }
0xb: {  	s7 =	sshll.u32 s7, $0x4;
	s8 =	sadd.s32 s3, s4;
	s3 =	sadd.s32 $0x1200, s4  }
0xc: {  	s9 =	sadd.s32 s9, s4;
	s10 =	ssub.s32 s6, s10;
	s4 =	sadd.s32 s5, s7  }
0xd: {  	s5 =	sadd.s32 $0xA00, s8;
	s6 =	sadd.s32 $0x189200, s9;
	s7 =	smax.u32 s10, $0x1  }
0xe: {  	s8 =	simm.s32 $0x4;
	s9 =	simm.s32 $0x80;
	s10 =	simm.s32 $0x280  }
.LBB2_1:
0xf: {  	[tilespmem:s2], [sflag:$0x4] =	stream.linear.gather [hbm4b:s4+s2], $0x80, $0x38;
	[tilespmem:$0xC280] =	vst v63  }
0x10: {  	_ =	swait.ge [sflag:s8], $0x80  }
0x11: {  	[sflag:s8] =	ssyncset.done $0x0  }
0x12: {  	[sflag:s8] =	ssyncadd.s32 $0xFFFFFF80  }
0x13: {  	[tilespmem:s9], [sflag:$0x4] =	stream.linear.gather [hbm4b:s5+s2], $0x200, $0x38;
	[tilespmem:$0xC280] =	vst v63  }
0x14: {  	_ =	swait.ge [sflag:s8], $0x200  }
0x15: {  	[sflag:s8] =	ssyncset.done $0x0  }
0x16: {  	[sflag:s8] =	ssyncadd.s32 $0xFFFFFE00  }
0x17: {  	[tilespmem:s10], [sflag:$0x1] =	stream.indirect.gather [hbm4b:s3+s9], $0x80, s2, s9, $0xb8;
	[tilespmem:$0xC280] =	vst v63  }
0x18: {  	_ = 	snop  }
0x19: {  	[tilespmem:s11], [sflag:$0x2] =	stream.indirect.gather [hbm4b:s3+s9], $0x80, s9, s9, $0xb8;
	[tilespmem:$0xC280] =	vst v63  }
0x1a: {  	_ = 	snop  }
0x1b: {  	[tilespmem:s13], [sflag:$0x3] =	stream.indirect.gather [hbm4b:s3+s9], $0x80, s12, s9, $0xb8;
	[tilespmem:$0xC280] =	vst v63  }
0x1c: {  	_ =	swait.ge [sflag:s14], $0x4000  }
0x1d: {  	[sflag:s14] =	ssyncset.done $0x0  }
0x1e: {  	[sflag:s14] =	ssyncadd.s32 $0xFFFFC000  }
0x1f: {  	_ =	swait.ge [sflag:s15], $0x4000  }
0x20: {  	[sflag:s15] =	ssyncset.done $0x0  }
0x21: {  	s20 =	simm.s32 $0x0;
	[sflag:s15] =	ssyncadd.s32 $0xFFFFC000  }
0x22: {  	s21 =	simm.s32 $0x43C0;
	s22 =	simm.s32 $0x200;
	v0 =	vld [tilespmem:s20+$0x280]  }
.LBB2_2:
0x23: {  	p0 =	sne.s32 s22, $0x3E00;
	v1 =	vld [tilespmem:s21+$0xFFFFFF00]  }
0x24: {  	v2 =	vld [tilespmem:s21+$0xFFFFFF80]  }
0x25: {  	v3 =	vld [tilespmem:s21+$0x0]  }
0x26: {  	v4 =	vld [tilespmem:s21+$0x80];
	_ =	sdelay $0x1  }
0x27: {  	v0 =	vadd.f32 v1, v0;
	_ =	sdelay $0x1  }
0x28: {  	v0 =	vadd.f32 v2, v0;
	_ =	sdelay $0x1  }
0x29: {  	v0 =	vadd.f32 v3, v0;
	_ =	sdelay $0x1  }
0x2a: {  	v0 =	vadd.f32 v4, v0;
	_ =	sdelay $0x1  }
0x2b: {  	[tilespmem:s20+$0x280] =	vst v0;
	v0 =	vld [tilespmem:s20+$0x290]  }
0x2c: {  	v1 =	vld [tilespmem:s21+$0xFFFFFF10];
	_ =	sdelay $0x1  }
0x2d: {  	v2 =	vld [tilespmem:s21+$0xFFFFFF90];
	_ =	sdelay $0x1  }
0x2e: {  	v3 =	vld [tilespmem:s21+$0x10]  }
0x2f: {  	v0 =	vadd.f32 v1, v0  }
0x30: {  	v1 =	vld [tilespmem:s21+$0x90]  }
0x31: {  	v0 =	vadd.f32 v2, v0;
	_ =	sdelay $0x1  }
0x32: {  	v0 =	vadd.f32 v3, v0;
	_ =	sdelay $0x1  }
0x33: {  	v0 =	vadd.f32 v1, v0;
	_ =	sdelay $0x1  }
0x34: {  	[tilespmem:s20+$0x290] =	vst v0;
	v0 =	vld [tilespmem:s20+$0x2A0]  }
0x35: {  	v1 =	vld [tilespmem:s21+$0xFFFFFF20];
	_ =	sdelay $0x1  }
0x36: {  	v2 =	vld [tilespmem:s21+$0xFFFFFFA0];
	_ =	sdelay $0x1  }
0x37: {  	v3 =	vld [tilespmem:s21+$0x20]  }
0x38: {  	v0 =	vadd.f32 v1, v0  }
0x39: {  	v1 =	vld [tilespmem:s21+$0xA0]  }
0x3a: {  	v0 =	vadd.f32 v2, v0;
	_ =	sdelay $0x1  }
0x3b: {  	v0 =	vadd.f32 v3, v0;
	_ =	sdelay $0x1  }
0x3c: {  	v0 =	vadd.f32 v1, v0;
	_ =	sdelay $0x1  }
0x3d: {  	[tilespmem:s20+$0x2A0] =	vst v0;
	v0 =	vld [tilespmem:s20+$0x2B0]  }
0x3e: {  	v1 =	vld [tilespmem:s21+$0xFFFFFF30]  }
0x3f: {  	v2 =	vld [tilespmem:s21+$0xFFFFFFB0]  }
0x40: {  	v3 =	vld [tilespmem:s21+$0x30]  }
0x41: {  	v4 =	vld [tilespmem:s21+$0xB0];
	_ =	sdelay $0x1  }
0x42: {  	v0 =	vadd.f32 v1, v0;
	_ =	sdelay $0x1  }
0x43: {  	v0 =	vadd.f32 v2, v0;
	_ =	sdelay $0x1  }
.Ltmp0:
0x44: {  	v0 =	vadd.f32 v3, v0;
	(pc) =	sbr.rel @p0 .LBB2_2-.Ltmp0, $4  }
0x45: {  	_ = 	snop  }
0x46: {  	v1 =	vadd.f32 v4, v0  }
0x47: {  	s23 =	sshra.s32 s22, $0x2  }
0x48: {  	s22 =	sadd.s32 $0x200, s22;
	s21 =	sadd.s32 $0x200, s21;
	v0 =	vld [tilespmem:s23+$0x280];
	[tilespmem:s20+$0x2B0] =	vst v1;
	s20 =	smov.u32 s23  }
0x49: {  	v1 =	vld [tilespmem:s21+$0xFFFFFF00];
	_ =	sdelay $0x1  }
0x4a: {  	v2 =	vld [tilespmem:s21+$0xFFFFFF80];
	_ =	sdelay $0x1  }
0x4b: {  	v3 =	vld [tilespmem:s21+$0x0]  }
0x4c: {  	v0 =	vadd.f32 v1, v0  }
0x4d: {  	v1 =	vld [tilespmem:s21+$0x80]  }
0x4e: {  	v0 =	vadd.f32 v2, v0;
	_ =	sdelay $0x1  }
0x4f: {  	v0 =	vadd.f32 v3, v0;
	_ =	sdelay $0x1  }
0x50: {  	v0 =	vadd.f32 v1, v0;
	_ =	sdelay $0x1  }
0x51: {  	[tilespmem:s20+$0x280] =	vst v0;
	v0 =	vld [tilespmem:s20+$0x290]  }
0x52: {  	v1 =	vld [tilespmem:s21+$0xFFFFFF10];
	_ =	sdelay $0x1  }
0x53: {  	v2 =	vld [tilespmem:s21+$0xFFFFFF90];
	_ =	sdelay $0x1  }
0x54: {  	v3 =	vld [tilespmem:s21+$0x10]  }
0x55: {  	v0 =	vadd.f32 v1, v0  }
0x56: {  	v1 =	vld [tilespmem:s21+$0x90]  }
0x57: {  	v0 =	vadd.f32 v2, v0;
	_ =	sdelay $0x1  }
0x58: {  	v0 =	vadd.f32 v3, v0;
	_ =	sdelay $0x1  }
0x59: {  	v0 =	vadd.f32 v1, v0;
	_ =	sdelay $0x1  }
0x5a: {  	[tilespmem:s20+$0x290] =	vst v0;
	v0 =	vld [tilespmem:s20+$0x2A0]  }
0x5b: {  	v1 =	vld [tilespmem:s21+$0xFFFFFF20];
	_ =	sdelay $0x1  }
0x5c: {  	v2 =	vld [tilespmem:s21+$0xFFFFFFA0];
	_ =	sdelay $0x1  }
0x5d: {  	v3 =	vld [tilespmem:s21+$0x20]  }
0x5e: {  	v0 =	vadd.f32 v1, v0  }
0x5f: {  	v1 =	vld [tilespmem:s21+$0xA0]  }
0x60: {  	v0 =	vadd.f32 v2, v0;
	_ =	sdelay $0x1  }
0x61: {  	v0 =	vadd.f32 v3, v0;
	_ =	sdelay $0x1  }
0x62: {  	v0 =	vadd.f32 v1, v0;
	_ =	sdelay $0x1  }
0x63: {  	[tilespmem:s20+$0x2A0] =	vst v0;
	v0 =	vld [tilespmem:s20+$0x2B0]  }
0x64: {  	v1 =	vld [tilespmem:s21+$0xFFFFFF30];
	_ =	sdelay $0x1  }
0x65: {  	v2 =	vld [tilespmem:s21+$0xFFFFFFB0];
	_ =	sdelay $0x1  }
0x66: {  	v3 =	vld [tilespmem:s21+$0x30]  }
0x67: {  	v0 =	vadd.f32 v1, v0  }
0x68: {  	v1 =	vld [tilespmem:s21+$0xB0]  }
0x69: {  	v0 =	vadd.f32 v2, v0;
	_ =	sdelay $0x1  }
0x6a: {  	v0 =	vadd.f32 v3, v0;
	_ =	sdelay $0x1  }
0x6b: {  	v0 =	vadd.f32 v1, v0;
	_ =	sdelay $0x1  }
0x6c: {  	[tilespmem:s20+$0x2B0] =	vst v0  }
0x6d: {  	[tilespmem:s11], [sflag:$0x2] =	stream.indirect.gather [hbm4b:s3+s9], $0x80, s16, s9, $0xb8;
	[tilespmem:$0xC280] =	vst v63  }
0x6e: {  	_ =	swait.ge [sflag:s17], $0x4000  }
0x6f: {  	[sflag:s17] =	ssyncset.done $0x0  }
0x70: {  	s20 =	simm.s32 $0x0;
	[sflag:s17] =	ssyncadd.s32 $0xFFFFC000  }
0x71: {  	s22 =	simm.s32 $0x200;
	s21 =	simm.s32 $0x83C0;
	v0 =	vld [tilespmem:s20+$0x1280]  }
.LBB2_4:
0x72: {  	p0 =	sne.s32 s22, $0x3E00;
	v1 =	vld [tilespmem:s21+$0xFFFFFF00]  }
0x73: {  	v2 =	vld [tilespmem:s21+$0xFFFFFF80]  }
0x74: {  	v3 =	vld [tilespmem:s21+$0x0]  }
0x75: {  	v4 =	vld [tilespmem:s21+$0x80];
	_ =	sdelay $0x1  }
0x76: {  	v0 =	vadd.f32 v1, v0;
	_ =	sdelay $0x1  }
0x77: {  	v0 =	vadd.f32 v2, v0;
	_ =	sdelay $0x1  }
0x78: {  	v0 =	vadd.f32 v3, v0;
	_ =	sdelay $0x1  }
0x79: {  	v0 =	vadd.f32 v4, v0;
	_ =	sdelay $0x1  }
0x7a: {  	[tilespmem:s20+$0x1280] =	vst v0;
	v0 =	vld [tilespmem:s20+$0x1290]  }
0x7b: {  	v1 =	vld [tilespmem:s21+$0xFFFFFF10];
	_ =	sdelay $0x1  }
0x7c: {  	v2 =	vld [tilespmem:s21+$0xFFFFFF90];
	_ =	sdelay $0x1  }
0x7d: {  	v3 =	vld [tilespmem:s21+$0x10]  }
0x7e: {  	v0 =	vadd.f32 v1, v0  }
0x7f: {  	v1 =	vld [tilespmem:s21+$0x90]  }
0x80: {  	v0 =	vadd.f32 v2, v0;
	_ =	sdelay $0x1  }
0x81: {  	v0 =	vadd.f32 v3, v0;
	_ =	sdelay $0x1  }
0x82: {  	v0 =	vadd.f32 v1, v0;
	_ =	sdelay $0x1  }
0x83: {  	[tilespmem:s20+$0x1290] =	vst v0;
	v0 =	vld [tilespmem:s20+$0x12A0]  }
0x84: {  	v1 =	vld [tilespmem:s21+$0xFFFFFF20];
	_ =	sdelay $0x1  }
0x85: {  	v2 =	vld [tilespmem:s21+$0xFFFFFFA0];
	_ =	sdelay $0x1  }
0x86: {  	v3 =	vld [tilespmem:s21+$0x20]  }
0x87: {  	v0 =	vadd.f32 v1, v0  }
0x88: {  	v1 =	vld [tilespmem:s21+$0xA0]  }
0x89: {  	v0 =	vadd.f32 v2, v0;
	_ =	sdelay $0x1  }
0x8a: {  	v0 =	vadd.f32 v3, v0;
	_ =	sdelay $0x1  }
0x8b: {  	v0 =	vadd.f32 v1, v0;
	_ =	sdelay $0x1  }
0x8c: {  	[tilespmem:s20+$0x12A0] =	vst v0;
	v0 =	vld [tilespmem:s20+$0x12B0]  }
0x8d: {  	v1 =	vld [tilespmem:s21+$0xFFFFFF30]  }
0x8e: {  	v2 =	vld [tilespmem:s21+$0xFFFFFFB0]  }
0x8f: {  	v3 =	vld [tilespmem:s21+$0x30]  }
0x90: {  	v4 =	vld [tilespmem:s21+$0xB0];
	_ =	sdelay $0x1  }
0x91: {  	v0 =	vadd.f32 v1, v0;
	_ =	sdelay $0x1  }
0x92: {  	v0 =	vadd.f32 v2, v0;
	_ =	sdelay $0x1  }
.Ltmp1:
0x93: {  	v0 =	vadd.f32 v3, v0;
	(pc) =	sbr.rel @p0 .LBB2_4-.Ltmp1, $4  }
0x94: {  	_ = 	snop  }
0x95: {  	v1 =	vadd.f32 v4, v0  }
0x96: {  	s23 =	sshra.s32 s22, $0x2  }
0x97: {  	s22 =	sadd.s32 $0x200, s22;
	s21 =	sadd.s32 $0x200, s21;
	v0 =	vld [tilespmem:s23+$0x1280];
	[tilespmem:s20+$0x12B0] =	vst v1;
	s20 =	smov.u32 s23  }
0x98: {  	v1 =	vld [tilespmem:s21+$0xFFFFFF00];
	_ =	sdelay $0x1  }
0x99: {  	v2 =	vld [tilespmem:s21+$0xFFFFFF80];
	_ =	sdelay $0x1  }
0x9a: {  	v3 =	vld [tilespmem:s21+$0x0]  }
0x9b: {  	v0 =	vadd.f32 v1, v0  }
0x9c: {  	v1 =	vld [tilespmem:s21+$0x80]  }
0x9d: {  	v0 =	vadd.f32 v2, v0;
	_ =	sdelay $0x1  }
0x9e: {  	v0 =	vadd.f32 v3, v0;
	_ =	sdelay $0x1  }
0x9f: {  	v0 =	vadd.f32 v1, v0;
	_ =	sdelay $0x1  }
0xa0: {  	[tilespmem:s20+$0x1280] =	vst v0;
	v0 =	vld [tilespmem:s20+$0x1290]  }
0xa1: {  	v1 =	vld [tilespmem:s21+$0xFFFFFF10];
	_ =	sdelay $0x1  }
0xa2: {  	v2 =	vld [tilespmem:s21+$0xFFFFFF90];
	_ =	sdelay $0x1  }
0xa3: {  	v3 =	vld [tilespmem:s21+$0x10]  }
0xa4: {  	v0 =	vadd.f32 v1, v0  }
0xa5: {  	v1 =	vld [tilespmem:s21+$0x90]  }
0xa6: {  	v0 =	vadd.f32 v2, v0;
	_ =	sdelay $0x1  }
0xa7: {  	v0 =	vadd.f32 v3, v0;
	_ =	sdelay $0x1  }
0xa8: {  	v0 =	vadd.f32 v1, v0;
	_ =	sdelay $0x1  }
0xa9: {  	[tilespmem:s20+$0x1290] =	vst v0;
	v0 =	vld [tilespmem:s20+$0x12A0]  }
0xaa: {  	v1 =	vld [tilespmem:s21+$0xFFFFFF20];
	_ =	sdelay $0x1  }
0xab: {  	v2 =	vld [tilespmem:s21+$0xFFFFFFA0];
	_ =	sdelay $0x1  }
0xac: {  	v3 =	vld [tilespmem:s21+$0x20]  }
0xad: {  	v0 =	vadd.f32 v1, v0  }
0xae: {  	v1 =	vld [tilespmem:s21+$0xA0]  }
0xaf: {  	v0 =	vadd.f32 v2, v0;
	_ =	sdelay $0x1  }
0xb0: {  	v0 =	vadd.f32 v3, v0;
	_ =	sdelay $0x1  }
0xb1: {  	v0 =	vadd.f32 v1, v0;
	_ =	sdelay $0x1  }
0xb2: {  	[tilespmem:s20+$0x12A0] =	vst v0;
	v0 =	vld [tilespmem:s20+$0x12B0]  }
0xb3: {  	v1 =	vld [tilespmem:s21+$0xFFFFFF30];
	_ =	sdelay $0x1  }
0xb4: {  	v2 =	vld [tilespmem:s21+$0xFFFFFFB0];
	_ =	sdelay $0x1  }
0xb5: {  	v3 =	vld [tilespmem:s21+$0x30]  }
0xb6: {  	v0 =	vadd.f32 v1, v0  }
0xb7: {  	v1 =	vld [tilespmem:s21+$0xB0]  }
0xb8: {  	v0 =	vadd.f32 v2, v0;
	_ =	sdelay $0x1  }
0xb9: {  	v0 =	vadd.f32 v3, v0;
	_ =	sdelay $0x1  }
0xba: {  	v0 =	vadd.f32 v1, v0;
	_ =	sdelay $0x1  }
0xbb: {  	[tilespmem:s20+$0x12B0] =	vst v0  }
0xbc: {  	[tilespmem:s13], [sflag:$0x3] =	stream.indirect.gather [hbm4b:s3+s9], $0x80, s18, s9, $0xb8;
	[tilespmem:$0xC280] =	vst v63  }
0xbd: {  	_ =	swait.ge [sflag:s15], $0x4000  }
0xbe: {  	[sflag:s15] =	ssyncset.done $0x0  }
0xbf: {  	s20 =	simm.s32 $0x0;
	[sflag:s15] =	ssyncadd.s32 $0xFFFFC000  }
0xc0: {  	s22 =	simm.s32 $0x200;
	s21 =	simm.s32 $0x43C0;
	v0 =	vld [tilespmem:s20+$0x2280]  }
.LBB2_6:
0xc1: {  	p0 =	sne.s32 s22, $0x3E00;
	v1 =	vld [tilespmem:s21+$0xFFFFFF00]  }
0xc2: {  	v2 =	vld [tilespmem:s21+$0xFFFFFF80]  }
0xc3: {  	v3 =	vld [tilespmem:s21+$0x0]  }
0xc4: {  	v4 =	vld [tilespmem:s21+$0x80];
	_ =	sdelay $0x1  }
0xc5: {  	v0 =	vadd.f32 v1, v0;
	_ =	sdelay $0x1  }
0xc6: {  	v0 =	vadd.f32 v2, v0;
	_ =	sdelay $0x1  }
0xc7: {  	v0 =	vadd.f32 v3, v0;
	_ =	sdelay $0x1  }
0xc8: {  	v0 =	vadd.f32 v4, v0;
	_ =	sdelay $0x1  }
0xc9: {  	[tilespmem:s20+$0x2280] =	vst v0;
	v0 =	vld [tilespmem:s20+$0x2290]  }
0xca: {  	v1 =	vld [tilespmem:s21+$0xFFFFFF10];
	_ =	sdelay $0x1  }
0xcb: {  	v2 =	vld [tilespmem:s21+$0xFFFFFF90];
	_ =	sdelay $0x1  }
0xcc: {  	v3 =	vld [tilespmem:s21+$0x10]  }
0xcd: {  	v0 =	vadd.f32 v1, v0  }
0xce: {  	v1 =	vld [tilespmem:s21+$0x90]  }
0xcf: {  	v0 =	vadd.f32 v2, v0;
	_ =	sdelay $0x1  }
0xd0: {  	v0 =	vadd.f32 v3, v0;
	_ =	sdelay $0x1  }
0xd1: {  	v0 =	vadd.f32 v1, v0;
	_ =	sdelay $0x1  }
0xd2: {  	[tilespmem:s20+$0x2290] =	vst v0;
	v0 =	vld [tilespmem:s20+$0x22A0]  }
0xd3: {  	v1 =	vld [tilespmem:s21+$0xFFFFFF20];
	_ =	sdelay $0x1  }
0xd4: {  	v2 =	vld [tilespmem:s21+$0xFFFFFFA0];
	_ =	sdelay $0x1  }
0xd5: {  	v3 =	vld [tilespmem:s21+$0x20]  }
0xd6: {  	v0 =	vadd.f32 v1, v0  }
0xd7: {  	v1 =	vld [tilespmem:s21+$0xA0]  }
0xd8: {  	v0 =	vadd.f32 v2, v0;
	_ =	sdelay $0x1  }
0xd9: {  	v0 =	vadd.f32 v3, v0;
	_ =	sdelay $0x1  }
0xda: {  	v0 =	vadd.f32 v1, v0;
	_ =	sdelay $0x1  }
0xdb: {  	[tilespmem:s20+$0x22A0] =	vst v0;
	v0 =	vld [tilespmem:s20+$0x22B0]  }
0xdc: {  	v1 =	vld [tilespmem:s21+$0xFFFFFF30]  }
0xdd: {  	v2 =	vld [tilespmem:s21+$0xFFFFFFB0]  }
0xde: {  	v3 =	vld [tilespmem:s21+$0x30]  }
0xdf: {  	v4 =	vld [tilespmem:s21+$0xB0];
	_ =	sdelay $0x1  }
0xe0: {  	v0 =	vadd.f32 v1, v0;
	_ =	sdelay $0x1  }
0xe1: {  	v0 =	vadd.f32 v2, v0;
	_ =	sdelay $0x1  }
.Ltmp2:
0xe2: {  	v0 =	vadd.f32 v3, v0;
	(pc) =	sbr.rel @p0 .LBB2_6-.Ltmp2, $4  }
0xe3: {  	_ = 	snop  }
0xe4: {  	v1 =	vadd.f32 v4, v0  }
0xe5: {  	s23 =	sshra.s32 s22, $0x2  }
0xe6: {  	s22 =	sadd.s32 $0x200, s22;
	s21 =	sadd.s32 $0x200, s21;
	v0 =	vld [tilespmem:s23+$0x2280];
	[tilespmem:s20+$0x22B0] =	vst v1;
	s20 =	smov.u32 s23  }
0xe7: {  	v1 =	vld [tilespmem:s21+$0xFFFFFF00];
	_ =	sdelay $0x1  }
0xe8: {  	v2 =	vld [tilespmem:s21+$0xFFFFFF80];
	_ =	sdelay $0x1  }
0xe9: {  	v3 =	vld [tilespmem:s21+$0x0]  }
0xea: {  	v0 =	vadd.f32 v1, v0  }
0xeb: {  	v1 =	vld [tilespmem:s21+$0x80]  }
0xec: {  	v0 =	vadd.f32 v2, v0;
	_ =	sdelay $0x1  }
0xed: {  	v0 =	vadd.f32 v3, v0;
	_ =	sdelay $0x1  }
0xee: {  	v0 =	vadd.f32 v1, v0;
	_ =	sdelay $0x1  }
0xef: {  	[tilespmem:s20+$0x2280] =	vst v0;
	v0 =	vld [tilespmem:s20+$0x2290]  }
0xf0: {  	v1 =	vld [tilespmem:s21+$0xFFFFFF10];
	_ =	sdelay $0x1  }
0xf1: {  	v2 =	vld [tilespmem:s21+$0xFFFFFF90];
	_ =	sdelay $0x1  }
0xf2: {  	v3 =	vld [tilespmem:s21+$0x10]  }
0xf3: {  	v0 =	vadd.f32 v1, v0  }
0xf4: {  	v1 =	vld [tilespmem:s21+$0x90]  }
0xf5: {  	v0 =	vadd.f32 v2, v0;
	_ =	sdelay $0x1  }
0xf6: {  	v0 =	vadd.f32 v3, v0;
	_ =	sdelay $0x1  }
0xf7: {  	v0 =	vadd.f32 v1, v0;
	_ =	sdelay $0x1  }
0xf8: {  	[tilespmem:s20+$0x2290] =	vst v0;
	v0 =	vld [tilespmem:s20+$0x22A0]  }
0xf9: {  	v1 =	vld [tilespmem:s21+$0xFFFFFF20];
	_ =	sdelay $0x1  }
0xfa: {  	v2 =	vld [tilespmem:s21+$0xFFFFFFA0];
	_ =	sdelay $0x1  }
0xfb: {  	v3 =	vld [tilespmem:s21+$0x20]  }
0xfc: {  	v0 =	vadd.f32 v1, v0  }
0xfd: {  	v1 =	vld [tilespmem:s21+$0xA0]  }
0xfe: {  	v0 =	vadd.f32 v2, v0;
	_ =	sdelay $0x1  }
0xff: {  	v0 =	vadd.f32 v3, v0;
	_ =	sdelay $0x1  }
0x100: {  	v0 =	vadd.f32 v1, v0;
	_ =	sdelay $0x1  }
0x101: {  	[tilespmem:s20+$0x22A0] =	vst v0;
	v0 =	vld [tilespmem:s20+$0x22B0]  }
0x102: {  	v1 =	vld [tilespmem:s21+$0xFFFFFF30];
	_ =	sdelay $0x1  }
0x103: {  	v2 =	vld [tilespmem:s21+$0xFFFFFFB0];
	_ =	sdelay $0x1  }
0x104: {  	v3 =	vld [tilespmem:s21+$0x30]  }
0x105: {  	v0 =	vadd.f32 v1, v0  }
0x106: {  	v1 =	vld [tilespmem:s21+$0xB0]  }
0x107: {  	v0 =	vadd.f32 v2, v0;
	_ =	sdelay $0x1  }
0x108: {  	v0 =	vadd.f32 v3, v0;
	_ =	sdelay $0x1  }
0x109: {  	v0 =	vadd.f32 v1, v0;
	_ =	sdelay $0x1  }
0x10a: {  	[tilespmem:s20+$0x22B0] =	vst v0  }
0x10b: {  	_ =	swait.ge [sflag:s17], $0x4000  }
0x10c: {  	[sflag:s17] =	ssyncset.done $0x0  }
0x10d: {  	s20 =	simm.s32 $0x0;
	[sflag:s17] =	ssyncadd.s32 $0xFFFFC000  }
0x10e: {  	s22 =	simm.s32 $0x200;
	s21 =	simm.s32 $0x83C0;
	v0 =	vld [tilespmem:s20+$0x3280]  }
.LBB2_8:
0x10f: {  	p0 =	sne.s32 s22, $0x3E00;
	v1 =	vld [tilespmem:s21+$0xFFFFFF00]  }
0x110: {  	v2 =	vld [tilespmem:s21+$0xFFFFFF80]  }
0x111: {  	v3 =	vld [tilespmem:s21+$0x0]  }
0x112: {  	v4 =	vld [tilespmem:s21+$0x80];
	_ =	sdelay $0x1  }
0x113: {  	v0 =	vadd.f32 v1, v0;
	_ =	sdelay $0x1  }
0x114: {  	v0 =	vadd.f32 v2, v0;
	_ =	sdelay $0x1  }
0x115: {  	v0 =	vadd.f32 v3, v0;
	_ =	sdelay $0x1  }
0x116: {  	v0 =	vadd.f32 v4, v0;
	_ =	sdelay $0x1  }
0x117: {  	[tilespmem:s20+$0x3280] =	vst v0;
	v0 =	vld [tilespmem:s20+$0x3290]  }
0x118: {  	v1 =	vld [tilespmem:s21+$0xFFFFFF10];
	_ =	sdelay $0x1  }
0x119: {  	v2 =	vld [tilespmem:s21+$0xFFFFFF90];
	_ =	sdelay $0x1  }
0x11a: {  	v3 =	vld [tilespmem:s21+$0x10]  }
0x11b: {  	v0 =	vadd.f32 v1, v0  }
0x11c: {  	v1 =	vld [tilespmem:s21+$0x90]  }
0x11d: {  	v0 =	vadd.f32 v2, v0;
	_ =	sdelay $0x1  }
0x11e: {  	v0 =	vadd.f32 v3, v0;
	_ =	sdelay $0x1  }
0x11f: {  	v0 =	vadd.f32 v1, v0;
	_ =	sdelay $0x1  }
0x120: {  	[tilespmem:s20+$0x3290] =	vst v0;
	v0 =	vld [tilespmem:s20+$0x32A0]  }
0x121: {  	v1 =	vld [tilespmem:s21+$0xFFFFFF20];
	_ =	sdelay $0x1  }
0x122: {  	v2 =	vld [tilespmem:s21+$0xFFFFFFA0];
	_ =	sdelay $0x1  }
0x123: {  	v3 =	vld [tilespmem:s21+$0x20]  }
0x124: {  	v0 =	vadd.f32 v1, v0  }
0x125: {  	v1 =	vld [tilespmem:s21+$0xA0]  }
0x126: {  	v0 =	vadd.f32 v2, v0;
	_ =	sdelay $0x1  }
0x127: {  	v0 =	vadd.f32 v3, v0;
	_ =	sdelay $0x1  }
0x128: {  	v0 =	vadd.f32 v1, v0;
	_ =	sdelay $0x1  }
0x129: {  	[tilespmem:s20+$0x32A0] =	vst v0;
	v0 =	vld [tilespmem:s20+$0x32B0]  }
0x12a: {  	v1 =	vld [tilespmem:s21+$0xFFFFFF30]  }
0x12b: {  	v2 =	vld [tilespmem:s21+$0xFFFFFFB0]  }
0x12c: {  	v3 =	vld [tilespmem:s21+$0x30]  }
0x12d: {  	v4 =	vld [tilespmem:s21+$0xB0];
	_ =	sdelay $0x1  }
0x12e: {  	v0 =	vadd.f32 v1, v0;
	_ =	sdelay $0x1  }
0x12f: {  	v0 =	vadd.f32 v2, v0;
	_ =	sdelay $0x1  }
.Ltmp3:
0x130: {  	v0 =	vadd.f32 v3, v0;
	(pc) =	sbr.rel @p0 .LBB2_8-.Ltmp3, $4  }
0x131: {  	_ = 	snop  }
0x132: {  	v1 =	vadd.f32 v4, v0  }
0x133: {  	s23 =	sshra.s32 s22, $0x2  }
0x134: {  	s22 =	sadd.s32 $0x200, s22;
	s21 =	sadd.s32 $0x200, s21;
	v0 =	vld [tilespmem:s23+$0x3280];
	[tilespmem:s20+$0x32B0] =	vst v1;
	s20 =	smov.u32 s23  }
0x135: {  	v1 =	vld [tilespmem:s21+$0xFFFFFF00];
	_ =	sdelay $0x1  }
0x136: {  	v2 =	vld [tilespmem:s21+$0xFFFFFF80];
	_ =	sdelay $0x1  }
0x137: {  	v3 =	vld [tilespmem:s21+$0x0]  }
0x138: {  	v0 =	vadd.f32 v1, v0  }
0x139: {  	v48 =	vld [tilespmem:s21+$0x80]  }
0x13a: {  	v0 =	vadd.f32 v2, v0;
	_ =	sdelay $0x1  }
0x13b: {  	v0 =	vadd.f32 v3, v0;
	_ =	sdelay $0x1  }
0x13c: {  	v0 =	vadd.f32 v48, v0;
	_ =	sdelay $0x1  }
0x13d: {  	v49 =	vld [tilespmem:s20+$0x3290];
	[tilespmem:s20+$0x3280] =	vst v0  }
0x13e: {  	v50 =	vld [tilespmem:s21+$0xFFFFFF10];
	_ =	sdelay $0x1  }
0x13f: {  	v51 =	vld [tilespmem:s21+$0xFFFFFF90];
	_ =	sdelay $0x1  }
0x140: {  	v52 =	vld [tilespmem:s21+$0x10]  }
0x141: {  	v0 =	vadd.f32 v50, v49  }
0x142: {  	v53 =	vld [tilespmem:s21+$0x90]  }
0x143: {  	v0 =	vadd.f32 v51, v0;
	_ =	sdelay $0x1  }
0x144: {  	v0 =	vadd.f32 v52, v0;
	_ =	sdelay $0x1  }
0x145: {  	v0 =	vadd.f32 v53, v0;
	_ =	sdelay $0x1  }
0x146: {  	v54 =	vld [tilespmem:s20+$0x32A0];
	[tilespmem:s20+$0x3290] =	vst v0  }
0x147: {  	v55 =	vld [tilespmem:s21+$0xFFFFFF20];
	_ =	sdelay $0x1  }
0x148: {  	v56 =	vld [tilespmem:s21+$0xFFFFFFA0];
	_ =	sdelay $0x1  }
0x149: {  	v57 =	vld [tilespmem:s21+$0x20]  }
0x14a: {  	v0 =	vadd.f32 v55, v54  }
0x14b: {  	v58 =	vld [tilespmem:s21+$0xA0]  }
0x14c: {  	v0 =	vadd.f32 v56, v0;
	_ =	sdelay $0x1  }
0x14d: {  	v0 =	vadd.f32 v57, v0;
	_ =	sdelay $0x1  }
0x14e: {  	v0 =	vadd.f32 v58, v0;
	_ =	sdelay $0x1  }
0x14f: {  	v59 =	vld [tilespmem:s20+$0x32B0];
	[tilespmem:s20+$0x32A0] =	vst v0  }
0x150: {  	v60 =	vld [tilespmem:s21+$0xFFFFFF30];
	_ =	sdelay $0x1  }
0x151: {  	v61 =	vld [tilespmem:s21+$0xFFFFFFB0];
	_ =	sdelay $0x1  }
0x152: {  	v62 =	vld [tilespmem:s21+$0x30]  }
0x153: {  	v0 =	vadd.f32 v60, v59  }
0x154: {  	v63 =	vld [tilespmem:s21+$0xB0]  }
0x155: {  	v0 =	vadd.f32 v61, v0;
	_ =	sdelay $0x1  }
0x156: {  	v0 =	vadd.f32 v62, v0;
	_ =	sdelay $0x1  }
0x157: {  	s19 =	sadd.s32 $0x1, s19;
	v0 =	vadd.f32 v63, v0  }
0x158: {  	p0 =	sne.s32 s19, s7  }
.Ltmp4:
0x159: {  	[tilespmem:s20+$0x32B0] =	vst v0;
	(pc) =	sbr.rel @p0 .LBB2_1-.Ltmp4, $4  }
0x15a: {  	[hbm4b:s6+s2] =	stream.linear.scatter [tilespmem:s10], [sflag:$0x4], $0x4000, $0x38;
	[tilespmem:$0xC280] =	vst v63  }
0x15b: {  	_ =	swait.ge [sflag:s8], $0x4000  }
0x15c: {  	[sflag:s8] =	ssyncset.done $0x0  }
0x15d: {  	[sflag:s8] =	ssyncadd.s32 $0xFFFFC000  }
0x15e: {  	_ =	sfence.sel $0x180000  }
0x15f: {  	[bflag:$0x0] =	sbarrier.arrive $0xFFFF  }
0x160: {  	p0 =	sne.s32 s1, $0x0;
	_ =	strace $0x90000047  }
0x161: {  	s0 =	sadd.s32 @!p0 $0x100000, s0;
	[bflag:$0x2] =	sbarrier.arrive $0xFFFF  }
0x162: {  	[sflag:s0] =	ssyncadd.tile.s32 @!p0 $0x1;
	_ =	shalt  }
.Lfunc_end2:
_tile_overlayer_lowered:
.L_overlay_start_2:
0x163: {  	(tag) =	ssettag $0x2  }
0x164: {  	s0 =	rddreg [dreg:$0x0];
	s2 =	stileid.u32  }
0x165: {  	s1 =	rddreg [dreg:$0x1];
	p0 =	sne.s32 s2, $0x0  }
0x166: {  	s3 =	rddreg [dreg:$0x2];
	[bflag:$0x3] =	sbarrier.arrive $0xFFFF;
	s2 =	simm.s32 @!p0 $0x1C04  }
0x167: {  	[timem:s3], [sflag:s2] =	dma.local @!p0 [hbm:s0], s1  }
0x168: {  	s0 =	simm.s32 @!p0 $0x4  }
0x169: {  	_ =	swait.ge @!p0 [sflag:s0], s1  }
0x16a: {  	s1 =	ssub.s32 @!p0 $0x0, s1;
	[sflag:s0] =	ssyncset.done @!p0 $0x0  }
0x16b: {  	[sflag:s0] =	ssyncadd.s32 @!p0 s1  }
0x16c: {  	[bflag:$0x3] =	sbarrier.arrive $0xFFFF  }
0x16d: {  	_ =	shalt  }

// kernel: kernel.9.cloned.1.call-start
scs
__scs_entry_jumppad:
0x0: {  	(pc) =	sbr.rel $0x88, $3  }
0x1: {  	(tag) =	ssettag $0x0;
	lr =	simm.s32 $0x1  }
0x2: {  	[smem:$0x3F9B] =	sst lr;
	_ =	strace $0xD0000000  }
0x3: {  	_ = 	snop  }
0x4: {  	_ = 	snop  }
0x5: {  	_ = 	snop  }
0x6: {  	_ = 	snop  }
0x7: {  	_ = 	snop  }
__scs_overlays_trampoline_lowered:
0x8: {  	[smem:$0x3FAA] =	sst s0  }
0x9: {  	[smem:$0x3FAB] =	sst s1  }
0xa: {  	[smem:$0x3FAC] =	sst s2  }
0xb: {  	[smem:$0x3FAD] =	sst s3  }
0xc: {  	[smem:$0x3FAE] =	sst s4  }
0xd: {  	[smem:$0x3FAF] =	sst s5  }
0xe: {  	[smem:$0x3FB0] =	sst s6  }
0xf: {  	[smem:$0x3FB1] =	sst s7  }
0x10: {  	[smem:$0x3FB2] =	sst s8  }
0x11: {  	[smem:$0x3FB3] =	sst s9;
	s0 =	simm.s32 @!p0 $0x0  }
0x12: {  	s1 =	sld [smem:$0x3F99];
	s0 =	simm.s32 @p0 $0x1  }
0x13: {  	[smem:$0x3FB4] =	sst s0;
	s0 =	simm.s32 @!p1 $0x0  }
0x14: {  	s2 =	sld [smem:$0x3F98];
	s0 =	simm.s32 @p1 $0x1  }
0x15: {  	[smem:$0x3FB5] =	sst s0;
	s0 =	simm.s32 @!p2 $0x0  }
0x16: {  	s3 =	sld [smem:$0x3FDB];
	s0 =	simm.s32 @p2 $0x1  }
0x17: {  	s4 =	simm.s32 $0x1BF5;
	[smem:$0x3FB7] =	sst s0  }
0x18: {  	s0 =	sld [smem:$0x3F9A];
	_ =	swait.ge [sflag:s4], $0x0  }
0x19: {  	s7 =	sld [smem:$0x3F9B]  }
0x1a: {  	s8 =	sadd.s32 $0xFFFFE003, lr  }
0x1b: {  	s9 =	sadd.s32 $0xFFFFFEF7, lr;
	s5 =	simm.s32 $0xFFFFFFFF;
	p2 =	slt.u32 s8, $0xFFFFF086  }
0x1c: {  	p1 =	slt.u32 s9, $0xF7A;
	s5 =	simm.s32 @!p2 $0x0  }
0x1d: {  	s5 =	simm.s32 @p1 $0x1;
	p0 =	seq.s32 s7, s2  }
0x1e: {  	s7 =	smul.u32 @!p0 $0xF7A, s2;
	p2 =	seq.s32 @!p0 s5, $0x0  }
0x1f: {  	s9 =	smul.u32 $0xF7A, s1;
	s8 =	simm.s32 @!p0 $0x1BF5;
	p2 =	por !p2, p0  }
0x20: {  	[sflag:s8] =	ssyncset.s32 @!p0 $0xFFFFF086;
	s6 =	sadd.s32 @!p0 s3, s7;
	s7 =	simm.s32 @!p0 $0x108  }
0x21: {  	s3 =	sadd.s32 s3, s9;
	s6 =	sadd.s32 @!p0 $0x88, s6;
	s7 =	simm.s32 @p2 $0x1082  }
0x22: {  	[simem:s7], [sflag:s8] =	dma.local @!p0 [hbm:s6], $0xF7A  }
0x23: {  	s9 =	sor.u32 $0xD0000000, s2;
	s6 =	simm.s32 $0x108;
	_ =	swait.ge @!p0 [sflag:s8], $0x0  }
0x24: {  	s3 =	sadd.s32 $0x88, s3;
	s6 =	simm.s32 @!p1 $0x1082;
	[sflag:s4] =	ssyncset.s32 $0xFFFFF086  }
0x25: {  	[simem:s6], [sflag:s4] =	dma.local [hbm:s3], $0xF7A  }
0x26: {  	[smem:$0x3F9B] =	sst s1;
	(tag) =	ssettag s2;
	_ =	strace s9  }
0x27: {  	s1 =	sld [smem:$0x3FAB]  }
0x28: {  	s2 =	sld [smem:$0x3FAC]  }
0x29: {  	s4 =	sld [smem:$0x3FAE]  }
0x2a: {  	p0 =	seq.s32 s5, $0x0;
	s5 =	sld [smem:$0x3FAF]  }
0x2b: {  	s6 =	sld [smem:$0x3FB0]  }
0x2c: {  	s7 =	sld [smem:$0x3FB1]  }
0x2d: {  	s3 =	simm.s32 $0x108;
	s8 =	sld [smem:$0x3FB2]  }
0x2e: {  	s3 =	simm.s32 @!p0 $0x1082;
	s9 =	sld [smem:$0x3FB3]  }
0x2f: {  	lr =	sadd.s32 s0, s3;
	s0 =	sld [smem:$0x3FAA]  }
0x30: {  	s3 =	sld [smem:$0x3FAD]  }
0x31: {  	[smem:$0x3FB6] =	sst s10  }
0x32: {  	s10 =	sld [smem:$0x3FB4];
	_ =	sdelay $0x3  }
0x33: {  	p0 =	seq.s32 s10, $0x1;
	s10 =	sld [smem:$0x3FB6];
	_ =	sdelay $0x3  }
0x34: {  	[smem:$0x3FB6] =	sst s10  }
0x35: {  	s10 =	sld [smem:$0x3FB5];
	_ =	sdelay $0x3  }
0x36: {  	p1 =	seq.s32 s10, $0x1;
	s10 =	sld [smem:$0x3FB6];
	_ =	sdelay $0x3  }
0x37: {  	[smem:$0x3FB6] =	sst s10  }
0x38: {  	s10 =	sld [smem:$0x3FB7]  }
0x39: {  	_ = 	snop;
	(pc) =	sbr.ind lr, $3  }
0x3a: {  	_ = 	snop  }
0x3b: {  	_ = 	snop  }
0x3c: {  	p2 =	seq.s32 s10, $0x1;
	s10 =	sld [smem:$0x3FB6]  }
0x3d: {  	_ =	shalt  }
0x3e: {  	_ =	shalt  }
0x3f: {  	_ =	shalt  }
0x40: {  	_ =	shalt  }
0x41: {  	_ =	shalt  }
0x42: {  	_ =	shalt  }
0x43: {  	_ =	shalt  }
0x44: {  	_ =	shalt  }
0x45: {  	_ =	shalt  }
0x46: {  	_ =	shalt  }
0x47: {  	_ =	shalt  }
0x48: {  	_ =	shalt  }
0x49: {  	_ =	shalt  }
0x4a: {  	_ =	shalt  }
0x4b: {  	_ =	shalt  }
0x4c: {  	_ =	shalt  }
0x4d: {  	_ =	shalt  }
0x4e: {  	_ =	shalt  }
0x4f: {  	_ =	shalt  }
0x50: {  	_ =	shalt  }
0x51: {  	_ =	shalt  }
0x52: {  	_ =	shalt  }
0x53: {  	_ =	shalt  }
0x54: {  	_ =	shalt  }
0x55: {  	_ =	shalt  }
0x56: {  	_ =	shalt  }
0x57: {  	_ =	shalt  }
0x58: {  	_ =	shalt  }
0x59: {  	_ =	shalt  }
0x5a: {  	_ =	shalt  }
0x5b: {  	_ =	shalt  }
0x5c: {  	_ =	shalt  }
0x5d: {  	_ =	shalt  }
0x5e: {  	_ =	shalt  }
0x5f: {  	_ =	shalt  }
0x60: {  	_ =	shalt  }
0x61: {  	_ =	shalt  }
0x62: {  	_ =	shalt  }
0x63: {  	_ =	shalt  }
0x64: {  	_ =	shalt  }
0x65: {  	_ =	shalt  }
0x66: {  	_ =	shalt  }
0x67: {  	_ =	shalt  }
0x68: {  	_ =	shalt  }
0x69: {  	_ =	shalt  }
0x6a: {  	_ =	shalt  }
0x6b: {  	_ =	shalt  }
0x6c: {  	_ =	shalt  }
0x6d: {  	_ =	shalt  }
0x6e: {  	_ =	shalt  }
0x6f: {  	_ =	shalt  }
0x70: {  	_ =	shalt  }
0x71: {  	_ =	shalt  }
0x72: {  	_ =	shalt  }
0x73: {  	_ =	shalt  }
0x74: {  	_ =	shalt  }
0x75: {  	_ =	shalt  }
0x76: {  	_ =	shalt  }
0x77: {  	_ =	shalt  }
0x78: {  	_ =	shalt  }
0x79: {  	_ =	shalt  }
0x7a: {  	_ =	shalt  }
0x7b: {  	_ =	shalt  }
0x7c: {  	_ =	shalt  }
0x7d: {  	_ =	shalt  }
0x7e: {  	_ =	shalt  }
0x7f: {  	_ =	shalt  }
0x80: {  	_ =	shalt  }
0x81: {  	_ =	shalt  }
0x82: {  	_ =	shalt  }
0x83: {  	_ =	shalt  }
0x84: {  	_ =	shalt  }
0x85: {  	_ =	shalt  }
0x86: {  	_ =	shalt  }
0x87: {  	_ =	shalt  }
.Lfunc_end0:
.L_simem_size_0:
called_computation.1_lowered:
.L_overlay_start_0:
0x88: {  	s2 =	sld [smem:$0x3FD9]  }
0x89: {  	s3 =	sld [smem:$0x3FFE];
	_ =	sdelay $0x1  }
0x8a: {  	s1 =	srdreg.scid  }
0x8b: {  	s0 =	sand.u32 $0x1, s1  }
0x8c: {  	s17 =	sshll.u32 s0, $0xA;
	s2 =	sadd.s32 s3, s2  }
0x8d: {  	s2 =	sadd.s32 s2, s17  }
0x8e: {  	[smem:$0x3FC2] =	sst s2  }
0x8f: {  	_ = 	snop  }
0x90: {  	s2 =	sld [smem:$0x3FD0];
	(tm) =	ssettm $0x1  }
0x91: {  	s18 =	sld [smem:$0x3FFB];
	_ =	sdelay $0x3  }
0x92: {  	_ =	strace s18  }
0x93: {  	s3 =	sld [smem:$0x3FFC];
	_ =	sdelay $0x3  }
0x94: {  	_ =	strace s3  }
0x95: {  	s3 =	sld [smem:$0x3FFD];
	_ =	sdelay $0x3  }
0x96: {  	_ =	strace s3  }
0x97: {  	_ =	strace $0x8FFFFFFF  }
0x98: {  	s19 =	sld [smem:$0x3FDB];
	_ =	sdelay $0x1  }
0x99: {  	s4 =	simm.s32 $_scs_section_size  }
0x9a: {  	s5 =	simm.s32 $_size__tile_overlayer_lowered;
	s6 =	simm.s32 $_tile_overlayer_lowered  }
0x9b: {  	s22 =	simm.s32 $0x1BFF;
	s21 =	sshll.u32 s6, $0x1;
	s3 =	sadd.s32 s4, s19  }
0x9c: {  	s7 =	simm.s32 $0x0;
	s20 =	sshll.u32 s5, $0x1;
	s5 =	sadd.s32 s21, s3  }
0x9d: {  	[timem:s7], [sflag:s22] =	dma.local [hbm:s5], s20  }
0x9e: {  	_ =	swait.ge [sflag:s22], s20  }
0x9f: {  	s4 =	ssub.s32 $0x0, s20;
	[sflag:s22] =	ssyncset.done $0x0  }
0xa0: {  	[sflag:s22] =	ssyncadd.s32 s4;
	_ =	sdelay $0x1  }
0xa1: {  	s23 =	simm.s32 $0x1B8B  }
0xa2: {  	_ =	swait.ge [sflag:s23], $0x1  }
0xa3: {  	[sflag:s23] =	ssyncset.done $0x0  }
0xa4: {  	s25 =	simm.s32 $0x1B8E;
	s24 =	sld [smem:$0x3FFE];
	[sflag:s23] =	ssyncadd.s32 $0xFFFFFFFF  }
0xa5: {  	s26 =	simm.s32 $execute0_lowered;
	[smem:$0x3FD2] =	sst s25  }
0xa6: {  	s5 =	sshll.u32 s26, $0x1;
	_ =	strace $0x80000049;
	[dreg:$0x1] =	wrdreg $0xFFFFFFFF  }
0xa7: {  	s28 =	simm.s32 $_size_execute0_lowered;
	s3 =	sadd.s32 s3, s5;
	[dreg:$0x0] =	wrdreg $0x0  }
0xa8: {  	s5 =	sshll.u32 s28, $0x1;
	[dreg:$0x2] =	wrdreg s3  }
0xa9: {  	[dreg:$0x3] =	wrdreg s5  }
0xaa: {  	[dreg:$0x4] =	wrdreg $0xC0  }
0xab: {  	_ =	task [dreg:s7], $0x5FFFF  }
0xac: {  	[dreg:$0x1] =	wrdreg $0xFFFFFFFF  }
0xad: {  	[dreg:$0x0] =	wrdreg $0x60  }
0xae: {  	[dreg:$0x2] =	wrdreg s2  }
0xaf: {  	[dreg:$0x3] =	wrdreg s24  }
0xb0: {  	[dreg:$0x4] =	wrdreg $0x9  }
0xb1: {  	_ =	task.clear_ibuf [dreg:s7], $0x5FFFF;
	_ =	strace $0x90000049  }
0xb2: {  	s29 =	simm.s32 $0x9;
	_ =	strace $0x8000004B  }
0xb3: {  	_ =	swait.ge [sflag:s29], $0x1  }
0xb4: {  	[sflag:s29] =	ssyncadd.s32 $0xFFFFFFFF  }
0xb5: {  	_ =	strace $0x9000004B  }
0xb6: {  	_ =	sfence  }
0xb7: {  	s30 =	sld [smem:$0x0];
	_ =	sdelay $0x2  }
0xb8: {  	s31 =	sshll.u32 s1, $0xD;
	s1 =	sshrl.u32 s1, $0x2  }
0xb9: {  	s3 =	sand.u32 $0x4000, s31;
	s1 =	sadd.s32 s1, s30  }
0xba: {  	s0 =	sor.u32 s3, s0;
	s1 =	sshll.u32 s1, $0x11  }
0xbb: {  	s0 =	sor.u32 s1, s0  }
0xbc: {  	s0 =	sadd.s32 $0x8F2B, s0  }
0xbd: {  	[sflag:s0] =	ssyncadd.remote.s32 $0x1  }
0xbe: {  	_ =	sfence.sel $0xFFFF  }
0xbf: {  	[dreg:$0x0] =	wrdreg $0xFFFFFFFF;
	(pc) =	sbr.abs _section_cstart, $3  }
0xc0: {  	[dreg:$0x1] =	wrdreg $0xFFFFFFFF  }
0xc1: {  	_ =	task.clear_ibuf [dreg:s7], $0x2FFFF;
	_ =	strace $0x9FFFFFFF  }
0xc2: {  	(tm) =	ssettm $0x7FFFFFFF  }
0xc3: {  	_ =	shalt  }
tec
execute0_lowered:
.L_overlay_start_1:
0x0: {  	(tag) =	ssettag $0x1  }
0x1: {  	s4 =	rddreg [dreg:$0x0]  }
0x2: {  	s1 =	srdreg.scid;
	s0 =	stileid.u32  }
0x3: {  	s5 =	rddreg [dreg:$0x1];
	s2 =	simm.s32 $0x0;
	s10 =	simm.s32 $0x4300  }
0x4: {  	s11 =	simm.s32 $0x8300;
	s12 =	simm.s32 $0x300;
	s13 =	simm.s32 $0x1  }
0x5: {  	s14 =	simm.s32 $0xC300;
	s15 =	simm.s32 $0x100;
	s16 =	simm.s32 $0x2  }
0x6: {  	s17 =	simm.s32 $0x180;
	s18 =	simm.s32 $0x200;
	s19 =	simm.s32 $0x280  }
0x7: {  	s3 =	sand.u32 $0x1, s1;
	s6 =	sshll.u32 s0, $0x1;
	s1 =	rddreg [dreg:$0x2]  }
0x8: {  	s20 =	simm.s32 $0x0;
	[smem:$0x7FF] =	sst s2;
	s6 =	sor.u32 s3, s6  }
0x9: {  	s8 =	ssub.s32 $0x2, s3;
	s7 =	sshll.u32 s6, $0xB;
	s6 =	smul.u32 $0x60, s6  }
0xa: {  	_ =	strace $0x8000004A;
	s3 =	sadd.s32 $0x199200, s5;
	s31 =	sshrl.u32 s8, $0x1  }
0xb: {  	s7 =	sadd.s32 s7, s5;
	s8 =	ssub.s32 s8, s31;
	s9 =	sadd.s32 s6, s5  }
0xc: {  	s4 =	sadd.s32 s4, s6;
	s5 =	sadd.s32 $0x189200, s7;
	s7 =	smax.u32 s8, $0x1  }
0xd: {  	vm0 =	vcmask $0x3F3C;
	s8 =	simm.s32 $0x3;
	s6 =	sadd.s32 $0xA00, s9;
	s9 =	simm.s32 $0x80  }
.LBB2_1:
0xe: {  	[tilespmem:s2], [sflag:$0x3] =	stream.linear.gather [hbm4b:s4+s2], $0x300, $0x38;
	[tilespmem:$0xC600] =	vst v63  }
0xf: {  	_ =	swait.ge [sflag:s8], $0x300  }
0x10: {  	[sflag:s8] =	ssyncset.done $0x0  }
0x11: {  	[sflag:s8] =	ssyncadd.s32 $0xFFFFFD00  }
0x12: {  	[tilespmem:s10], [sflag:$0x1] =	stream.indirect.gather [hbm4b:s3+s9], $0x80, s2, s9, $0xb8;
	[tilespmem:$0xC600] =	vst v63  }
0x13: {  	_ = 	snop  }
0x14: {  	[tilespmem:s11], [sflag:$0x2] =	stream.indirect.gather [hbm4b:s3+s9], $0x80, s9, s9, $0xb8;
	[tilespmem:$0xC600] =	vst v63  }
0x15: {  	_ = 	snop  }
0x16: {  	[tilespmem:s12], [sflag:$0x3] =	stream.linear.gather [hbm4b:s5+s2], $0x4000, $0x38;
	[tilespmem:$0xC600] =	vst v63  }
0x17: {  	_ =	swait.ge [sflag:s8], $0x4000  }
0x18: {  	[sflag:s8] =	ssyncset.done $0x0  }
0x19: {  	[sflag:s8] =	ssyncadd.s32 $0xFFFFC000  }
0x1a: {  	s21 =	smul.u32 $0xAB, s2;
	_ =	swait.ge [sflag:s13], $0x4000  }
0x1b: {  	s22 =	simm.s32 $0x4320;
	s23 =	simm.s32 $0x1;
	[sflag:s13] =	ssyncset.done $0x0  }
0x1c: {  	s24 =	sshrl.u32 s21, $0x3;
	s21 =	simm.s32 $0x0;
	[sflag:s13] =	ssyncadd.s32 $0xFFFFC000  }
.LBB2_2:
0x1d: {  	p0 =	sne.s32 s23, $0x7F;
	s24 =	sand.u32 $0x1F80, s24;
	v0 =	vld [tilespmem:s22+$0xFFFFFFE0]  }
0x1e: {  	v1 =	vld [tilespmem:s24+$0x300]  }
0x1f: {  	v2 =	vld [tilespmem:s24+$0x310]  }
0x20: {  	v3 =	vld [tilespmem:s22+$0xFFFFFFF0]  }
0x21: {  	v4 =	vld [tilespmem:s24+$0x320]  }
0x22: {  	v5 =	vld [tilespmem:s22+$0x0]  }
0x23: {  	v6 =	vld [tilespmem:s24+$0x330]  }
0x24: {  	v7 =	vld [tilespmem:s22+$0x10]  }
0x25: {  	v0 =	vmul.f32 v0, v1;
	v1 =	vmul.f32 v3, v2;
	_ =	sdelay $0x1  }
0x26: {  	v0 =	vadd.f32 v1, v0;
	v1 =	vmul.f32 v5, v4;
	_ =	sdelay $0x1  }
0x27: {  	v0 =	vadd.f32 v1, v0;
	v1 =	vmul.f32 v7, v6;
	_ =	sdelay $0x1  }
0x28: {  	v0 =	vadd.f32 v1, v0;
	_ =	sdelay $0x1  }
0x29: {  	(xrf2) =	vadd.scan.msk.f32 $0xffff, v0;
	_ =	sdelay $0x5  }
0x2a: {  	v0 =	vmov s21;
	s21 =	smov.u32 s23  }
.Ltmp0:
0x2b: {  	(pc) =	sbr.rel @p0 .LBB2_2-.Ltmp0, $4  }
0x2c: {  	_ = 	snop  }
0x2d: {  	s24 =	smul.u32 $0xAB, s23  }
0x2e: {  	v1, _, _ =	vpop (xrf2)  }
0x2f: {  	s22 =	sadd.s32 $0x80, s22;
	s24 =	sshrl.u32 s24, $0x3;
	s23 =	sadd.s32 $0x1, s23;
	[tilespmem:v0+s14+$0x0] =	vst.idx.msk vm0, v1  }
0x30: {  	v0 =	vld [tilespmem:s22+$0xFFFFFFE0]  }
0x31: {  	s23 =	sand.u32 $0x1F80, s24;
	v3 =	vld [tilespmem:s22+$0xFFFFFFF0]  }
0x32: {  	v1 =	vld [tilespmem:s23+$0x300]  }
0x33: {  	v2 =	vld [tilespmem:s23+$0x310]  }
0x34: {  	v5 =	vld [tilespmem:s22+$0x0]  }
0x35: {  	v4 =	vld [tilespmem:s23+$0x320]  }
0x36: {  	v7 =	vld [tilespmem:s22+$0x10]  }
0x37: {  	v6 =	vld [tilespmem:s23+$0x330]  }
0x38: {  	v0 =	vmul.f32 v0, v1;
	v59 =	vmul.f32 v3, v2;
	_ =	sdelay $0x1  }
0x39: {  	v60 =	vmul.f32 v5, v4;
	v0 =	vadd.f32 v59, v0;
	_ =	sdelay $0x1  }
0x3a: {  	v61 =	vmul.f32 v7, v6;
	v0 =	vadd.f32 v60, v0;
	_ =	sdelay $0x1  }
0x3b: {  	v0 =	vadd.f32 v61, v0;
	_ =	sdelay $0x1  }
0x3c: {  	(xrf2) =	vadd.scan.msk.f32 $0xffff, v0;
	_ =	sdelay $0x5  }
0x3d: {  	v62 =	vmov s21;
	_ =	sdelay $0x3  }
0x3e: {  	v63, _, _ =	vpop (xrf2)  }
0x3f: {  	s21 =	simm.s32 $0x80;
	[tilespmem:v62+s14+$0x0] =	vst.idx.msk vm0, v63  }
0x40: {  	[tilespmem:s10], [sflag:$0x1] =	stream.indirect.gather [hbm4b:s3+s21], $0x80, s15, s21, $0xb8;
	[tilespmem:$0xC600] =	vst v63  }
0x41: {  	s31 =	smul.u32 $0xAB, s21;
	_ =	swait.ge [sflag:s16], $0x4000  }
0x42: {  	s22 =	simm.s32 $0x8320;
	[sflag:s16] =	ssyncset.done $0x0  }
0x43: {  	s23 =	simm.s32 $0x81;
	s24 =	sshrl.u32 s31, $0x3;
	[sflag:s16] =	ssyncadd.s32 $0xFFFFC000  }
.LBB2_4:
0x44: {  	p0 =	sne.s32 s23, $0xFF;
	s24 =	sand.u32 $0x1F80, s24;
	v0 =	vld [tilespmem:s22+$0xFFFFFFE0]  }
0x45: {  	v1 =	vld [tilespmem:s24+$0x300]  }
0x46: {  	v2 =	vld [tilespmem:s24+$0x310]  }
0x47: {  	v3 =	vld [tilespmem:s22+$0xFFFFFFF0]  }
0x48: {  	v4 =	vld [tilespmem:s24+$0x320]  }
0x49: {  	v5 =	vld [tilespmem:s22+$0x0]  }
0x4a: {  	v6 =	vld [tilespmem:s24+$0x330]  }
0x4b: {  	v7 =	vld [tilespmem:s22+$0x10]  }
0x4c: {  	v0 =	vmul.f32 v0, v1;
	v1 =	vmul.f32 v3, v2;
	_ =	sdelay $0x1  }
0x4d: {  	v0 =	vadd.f32 v1, v0;
	v1 =	vmul.f32 v5, v4;
	_ =	sdelay $0x1  }
0x4e: {  	v0 =	vadd.f32 v1, v0;
	v1 =	vmul.f32 v7, v6;
	_ =	sdelay $0x1  }
0x4f: {  	v0 =	vadd.f32 v1, v0;
	_ =	sdelay $0x1  }
0x50: {  	(xrf2) =	vadd.scan.msk.f32 $0xffff, v0;
	_ =	sdelay $0x5  }
0x51: {  	v0 =	vmov s21;
	s21 =	smov.u32 s23  }
.Ltmp1:
0x52: {  	(pc) =	sbr.rel @p0 .LBB2_4-.Ltmp1, $4  }
0x53: {  	_ = 	snop  }
0x54: {  	s24 =	smul.u32 $0xAB, s23  }
0x55: {  	v1, _, _ =	vpop (xrf2)  }
0x56: {  	s22 =	sadd.s32 $0x80, s22;
	s24 =	sshrl.u32 s24, $0x3;
	s23 =	sadd.s32 $0x1, s23;
	[tilespmem:v0+s14+$0x0] =	vst.idx.msk vm0, v1  }
0x57: {  	v0 =	vld [tilespmem:s22+$0xFFFFFFE0]  }
0x58: {  	s23 =	sand.u32 $0x1F80, s24;
	v3 =	vld [tilespmem:s22+$0xFFFFFFF0]  }
0x59: {  	v1 =	vld [tilespmem:s23+$0x300]  }
0x5a: {  	v2 =	vld [tilespmem:s23+$0x310]  }
0x5b: {  	v5 =	vld [tilespmem:s22+$0x0]  }
0x5c: {  	v4 =	vld [tilespmem:s23+$0x320]  }
0x5d: {  	v7 =	vld [tilespmem:s22+$0x10]  }
0x5e: {  	v6 =	vld [tilespmem:s23+$0x330]  }
0x5f: {  	v0 =	vmul.f32 v0, v1;
	v59 =	vmul.f32 v3, v2;
	_ =	sdelay $0x1  }
0x60: {  	v60 =	vmul.f32 v5, v4;
	v0 =	vadd.f32 v59, v0;
	_ =	sdelay $0x1  }
0x61: {  	v61 =	vmul.f32 v7, v6;
	v0 =	vadd.f32 v60, v0;
	_ =	sdelay $0x1  }
0x62: {  	v0 =	vadd.f32 v61, v0;
	_ =	sdelay $0x1  }
0x63: {  	(xrf2) =	vadd.scan.msk.f32 $0xffff, v0;
	_ =	sdelay $0x5  }
0x64: {  	v62 =	vmov s21;
	_ =	sdelay $0x3  }
0x65: {  	v63, _, _ =	vpop (xrf2)  }
0x66: {  	s21 =	simm.s32 $0x100;
	[tilespmem:v62+s14+$0x0] =	vst.idx.msk vm0, v63  }
0x67: {  	[tilespmem:s11], [sflag:$0x2] =	stream.indirect.gather [hbm4b:s3+s9], $0x80, s17, s9, $0xb8;
	[tilespmem:$0xC600] =	vst v63  }
0x68: {  	s31 =	smul.u32 $0xAAAB, s21;
	_ =	swait.ge [sflag:s13], $0x4000  }
0x69: {  	s22 =	simm.s32 $0x4320;
	[sflag:s13] =	ssyncset.done $0x0  }
0x6a: {  	s23 =	simm.s32 $0x101;
	s24 =	sshrl.u32 s31, $0xB;
	[sflag:s13] =	ssyncadd.s32 $0xFFFFC000  }
.LBB2_6:
0x6b: {  	p0 =	sne.s32 s23, $0x17F;
	s24 =	sand.u32 $0xFF80, s24;
	v0 =	vld [tilespmem:s22+$0xFFFFFFE0]  }
0x6c: {  	v1 =	vld [tilespmem:s24+$0x300]  }
0x6d: {  	v2 =	vld [tilespmem:s24+$0x310]  }
0x6e: {  	v3 =	vld [tilespmem:s22+$0xFFFFFFF0]  }
0x6f: {  	v4 =	vld [tilespmem:s24+$0x320]  }
0x70: {  	v5 =	vld [tilespmem:s22+$0x0]  }
0x71: {  	v6 =	vld [tilespmem:s24+$0x330]  }
0x72: {  	v7 =	vld [tilespmem:s22+$0x10]  }
0x73: {  	v0 =	vmul.f32 v0, v1;
	v1 =	vmul.f32 v3, v2;
	_ =	sdelay $0x1  }
0x74: {  	v0 =	vadd.f32 v1, v0;
	v1 =	vmul.f32 v5, v4;
	_ =	sdelay $0x1  }
0x75: {  	v0 =	vadd.f32 v1, v0;
	v1 =	vmul.f32 v7, v6;
	_ =	sdelay $0x1  }
0x76: {  	v0 =	vadd.f32 v1, v0;
	_ =	sdelay $0x1  }
0x77: {  	(xrf2) =	vadd.scan.msk.f32 $0xffff, v0;
	_ =	sdelay $0x5  }
0x78: {  	v0 =	vmov s21;
	s21 =	smov.u32 s23  }
.Ltmp2:
0x79: {  	(pc) =	sbr.rel @p0 .LBB2_6-.Ltmp2, $4  }
0x7a: {  	_ = 	snop  }
0x7b: {  	s24 =	smul.u32 $0xAAAB, s23  }
0x7c: {  	v1, _, _ =	vpop (xrf2)  }
0x7d: {  	s22 =	sadd.s32 $0x80, s22;
	s24 =	sshrl.u32 s24, $0xB;
	s23 =	sadd.s32 $0x1, s23;
	[tilespmem:v0+s14+$0x0] =	vst.idx.msk vm0, v1  }
0x7e: {  	v0 =	vld [tilespmem:s22+$0xFFFFFFE0]  }
0x7f: {  	s23 =	sand.u32 $0xFF80, s24;
	v3 =	vld [tilespmem:s22+$0xFFFFFFF0]  }
0x80: {  	v1 =	vld [tilespmem:s23+$0x300]  }
0x81: {  	v2 =	vld [tilespmem:s23+$0x310]  }
0x82: {  	v5 =	vld [tilespmem:s22+$0x0]  }
0x83: {  	v4 =	vld [tilespmem:s23+$0x320]  }
0x84: {  	v7 =	vld [tilespmem:s22+$0x10]  }
0x85: {  	v6 =	vld [tilespmem:s23+$0x330]  }
0x86: {  	v0 =	vmul.f32 v0, v1;
	v59 =	vmul.f32 v3, v2;
	_ =	sdelay $0x1  }
0x87: {  	v60 =	vmul.f32 v5, v4;
	v0 =	vadd.f32 v59, v0;
	_ =	sdelay $0x1  }
0x88: {  	v61 =	vmul.f32 v7, v6;
	v0 =	vadd.f32 v60, v0;
	_ =	sdelay $0x1  }
0x89: {  	v0 =	vadd.f32 v61, v0;
	_ =	sdelay $0x1  }
0x8a: {  	(xrf2) =	vadd.scan.msk.f32 $0xffff, v0;
	_ =	sdelay $0x5  }
0x8b: {  	v62 =	vmov s21;
	_ =	sdelay $0x3  }
0x8c: {  	v63, _, _ =	vpop (xrf2)  }
0x8d: {  	s21 =	simm.s32 $0x180;
	[tilespmem:v62+s14+$0x0] =	vst.idx.msk vm0, v63  }
0x8e: {  	[tilespmem:s10], [sflag:$0x1] =	stream.indirect.gather [hbm4b:s3+s9], $0x80, s18, s9, $0xb8;
	[tilespmem:$0xC600] =	vst v63  }
0x8f: {  	s31 =	smul.u32 $0xAAAB, s21;
	_ =	swait.ge [sflag:s16], $0x4000  }
0x90: {  	s22 =	simm.s32 $0x8320;
	[sflag:s16] =	ssyncset.done $0x0  }
0x91: {  	s23 =	simm.s32 $0x181;
	s24 =	sshrl.u32 s31, $0xB;
	[sflag:s16] =	ssyncadd.s32 $0xFFFFC000  }
.LBB2_8:
0x92: {  	p0 =	sne.s32 s23, $0x1FF;
	s24 =	sand.u32 $0xFF80, s24;
	v0 =	vld [tilespmem:s22+$0xFFFFFFE0]  }
0x93: {  	v1 =	vld [tilespmem:s24+$0x300]  }
0x94: {  	v2 =	vld [tilespmem:s24+$0x310]  }
0x95: {  	v3 =	vld [tilespmem:s22+$0xFFFFFFF0]  }
0x96: {  	v4 =	vld [tilespmem:s24+$0x320]  }
0x97: {  	v5 =	vld [tilespmem:s22+$0x0]  }
0x98: {  	v6 =	vld [tilespmem:s24+$0x330]  }
0x99: {  	v7 =	vld [tilespmem:s22+$0x10]  }
0x9a: {  	v0 =	vmul.f32 v0, v1;
	v1 =	vmul.f32 v3, v2;
	_ =	sdelay $0x1  }
0x9b: {  	v0 =	vadd.f32 v1, v0;
	v1 =	vmul.f32 v5, v4;
	_ =	sdelay $0x1  }
0x9c: {  	v0 =	vadd.f32 v1, v0;
	v1 =	vmul.f32 v7, v6;
	_ =	sdelay $0x1  }
0x9d: {  	v0 =	vadd.f32 v1, v0;
	_ =	sdelay $0x1  }
0x9e: {  	(xrf2) =	vadd.scan.msk.f32 $0xffff, v0;
	_ =	sdelay $0x5  }
0x9f: {  	v0 =	vmov s21;
	s21 =	smov.u32 s23  }
.Ltmp3:
0xa0: {  	(pc) =	sbr.rel @p0 .LBB2_8-.Ltmp3, $4  }
0xa1: {  	_ = 	snop  }
0xa2: {  	s24 =	smul.u32 $0xAAAB, s23  }
0xa3: {  	v1, _, _ =	vpop (xrf2)  }
0xa4: {  	s22 =	sadd.s32 $0x80, s22;
	s24 =	sshrl.u32 s24, $0xB;
	s23 =	sadd.s32 $0x1, s23;
	[tilespmem:v0+s14+$0x0] =	vst.idx.msk vm0, v1  }
0xa5: {  	v0 =	vld [tilespmem:s22+$0xFFFFFFE0]  }
0xa6: {  	s23 =	sand.u32 $0xFF80, s24;
	v3 =	vld [tilespmem:s22+$0xFFFFFFF0]  }
0xa7: {  	v1 =	vld [tilespmem:s23+$0x300]  }
0xa8: {  	v2 =	vld [tilespmem:s23+$0x310]  }
0xa9: {  	v5 =	vld [tilespmem:s22+$0x0]  }
0xaa: {  	v4 =	vld [tilespmem:s23+$0x320]  }
0xab: {  	v7 =	vld [tilespmem:s22+$0x10]  }
0xac: {  	v6 =	vld [tilespmem:s23+$0x330]  }
0xad: {  	v0 =	vmul.f32 v0, v1;
	v59 =	vmul.f32 v3, v2;
	_ =	sdelay $0x1  }
0xae: {  	v60 =	vmul.f32 v5, v4;
	v0 =	vadd.f32 v59, v0;
	_ =	sdelay $0x1  }
0xaf: {  	v61 =	vmul.f32 v7, v6;
	v0 =	vadd.f32 v60, v0;
	_ =	sdelay $0x1  }
0xb0: {  	v0 =	vadd.f32 v61, v0;
	_ =	sdelay $0x1  }
0xb1: {  	(xrf2) =	vadd.scan.msk.f32 $0xffff, v0;
	_ =	sdelay $0x5  }
0xb2: {  	v62 =	vmov s21;
	_ =	sdelay $0x3  }
0xb3: {  	v63, _, _ =	vpop (xrf2)  }
0xb4: {  	s21 =	simm.s32 $0x200;
	[tilespmem:v62+s14+$0x0] =	vst.idx.msk vm0, v63  }
0xb5: {  	[tilespmem:s11], [sflag:$0x2] =	stream.indirect.gather [hbm4b:s3+s9], $0x80, s19, s9, $0xb8;
	[tilespmem:$0xC600] =	vst v63  }
0xb6: {  	s31 =	smul.u32 $0xAAAB, s21;
	_ =	swait.ge [sflag:s13], $0x4000  }
0xb7: {  	s22 =	simm.s32 $0x4320;
	[sflag:s13] =	ssyncset.done $0x0  }
0xb8: {  	s23 =	simm.s32 $0x201;
	s24 =	sshrl.u32 s31, $0xB;
	[sflag:s13] =	ssyncadd.s32 $0xFFFFC000  }
.LBB2_10:
0xb9: {  	p0 =	sne.s32 s23, $0x27F;
	s24 =	sand.u32 $0xFF80, s24;
	v0 =	vld [tilespmem:s22+$0xFFFFFFE0]  }
0xba: {  	v1 =	vld [tilespmem:s24+$0x300]  }
0xbb: {  	v2 =	vld [tilespmem:s24+$0x310]  }
0xbc: {  	v3 =	vld [tilespmem:s22+$0xFFFFFFF0]  }
0xbd: {  	v4 =	vld [tilespmem:s24+$0x320]  }
0xbe: {  	v5 =	vld [tilespmem:s22+$0x0]  }
0xbf: {  	v6 =	vld [tilespmem:s24+$0x330]  }
0xc0: {  	v7 =	vld [tilespmem:s22+$0x10]  }
0xc1: {  	v0 =	vmul.f32 v0, v1;
	v1 =	vmul.f32 v3, v2;
	_ =	sdelay $0x1  }
0xc2: {  	v0 =	vadd.f32 v1, v0;
	v1 =	vmul.f32 v5, v4;
	_ =	sdelay $0x1  }
0xc3: {  	v0 =	vadd.f32 v1, v0;
	v1 =	vmul.f32 v7, v6;
	_ =	sdelay $0x1  }
0xc4: {  	v0 =	vadd.f32 v1, v0;
	_ =	sdelay $0x1  }
0xc5: {  	(xrf2) =	vadd.scan.msk.f32 $0xffff, v0;
	_ =	sdelay $0x5  }
0xc6: {  	v0 =	vmov s21;
	s21 =	smov.u32 s23  }
.Ltmp4:
0xc7: {  	(pc) =	sbr.rel @p0 .LBB2_10-.Ltmp4, $4  }
0xc8: {  	_ = 	snop  }
0xc9: {  	s24 =	smul.u32 $0xAAAB, s23  }
0xca: {  	v1, _, _ =	vpop (xrf2)  }
0xcb: {  	s22 =	sadd.s32 $0x80, s22;
	s24 =	sshrl.u32 s24, $0xB;
	s23 =	sadd.s32 $0x1, s23;
	[tilespmem:v0+s14+$0x0] =	vst.idx.msk vm0, v1  }
0xcc: {  	v0 =	vld [tilespmem:s22+$0xFFFFFFE0]  }
0xcd: {  	s23 =	sand.u32 $0xFF80, s24;
	v3 =	vld [tilespmem:s22+$0xFFFFFFF0]  }
0xce: {  	v1 =	vld [tilespmem:s23+$0x300]  }
0xcf: {  	v2 =	vld [tilespmem:s23+$0x310]  }
0xd0: {  	v5 =	vld [tilespmem:s22+$0x0]  }
0xd1: {  	v4 =	vld [tilespmem:s23+$0x320]  }
0xd2: {  	v7 =	vld [tilespmem:s22+$0x10]  }
0xd3: {  	v6 =	vld [tilespmem:s23+$0x330]  }
0xd4: {  	v0 =	vmul.f32 v0, v1;
	v59 =	vmul.f32 v3, v2;
	_ =	sdelay $0x1  }
0xd5: {  	v60 =	vmul.f32 v5, v4;
	v0 =	vadd.f32 v59, v0;
	_ =	sdelay $0x1  }
0xd6: {  	v61 =	vmul.f32 v7, v6;
	v0 =	vadd.f32 v60, v0;
	_ =	sdelay $0x1  }
0xd7: {  	v0 =	vadd.f32 v61, v0;
	_ =	sdelay $0x1  }
0xd8: {  	(xrf2) =	vadd.scan.msk.f32 $0xffff, v0;
	_ =	sdelay $0x5  }
0xd9: {  	v62 =	vmov s21;
	_ =	sdelay $0x3  }
0xda: {  	v63, _, _ =	vpop (xrf2)  }
0xdb: {  	s21 =	simm.s32 $0x280;
	[tilespmem:v62+s14+$0x0] =	vst.idx.msk vm0, v63  }
0xdc: {  	s31 =	smul.u32 $0xAAAB, s21;
	_ =	swait.ge [sflag:s16], $0x4000  }
0xdd: {  	s22 =	simm.s32 $0x8320;
	[sflag:s16] =	ssyncset.done $0x0  }
0xde: {  	s23 =	simm.s32 $0x281;
	s24 =	sshrl.u32 s31, $0xB;
	[sflag:s16] =	ssyncadd.s32 $0xFFFFC000  }
.LBB2_12:
0xdf: {  	p0 =	sne.s32 s23, $0x2FF;
	s24 =	sand.u32 $0xFF80, s24;
	v0 =	vld [tilespmem:s22+$0xFFFFFFE0]  }
0xe0: {  	v1 =	vld [tilespmem:s24+$0x300]  }
0xe1: {  	v2 =	vld [tilespmem:s24+$0x310]  }
0xe2: {  	v3 =	vld [tilespmem:s22+$0xFFFFFFF0]  }
0xe3: {  	v4 =	vld [tilespmem:s24+$0x320]  }
0xe4: {  	v5 =	vld [tilespmem:s22+$0x0]  }
0xe5: {  	v6 =	vld [tilespmem:s24+$0x330]  }
0xe6: {  	v7 =	vld [tilespmem:s22+$0x10]  }
0xe7: {  	v0 =	vmul.f32 v0, v1;
	v1 =	vmul.f32 v3, v2;
	_ =	sdelay $0x1  }
0xe8: {  	v0 =	vadd.f32 v1, v0;
	v1 =	vmul.f32 v5, v4;
	_ =	sdelay $0x1  }
0xe9: {  	v0 =	vadd.f32 v1, v0;
	v1 =	vmul.f32 v7, v6;
	_ =	sdelay $0x1  }
0xea: {  	v0 =	vadd.f32 v1, v0;
	_ =	sdelay $0x1  }
0xeb: {  	(xrf2) =	vadd.scan.msk.f32 $0xffff, v0;
	_ =	sdelay $0x5  }
0xec: {  	v0 =	vmov s21;
	s21 =	smov.u32 s23  }
.Ltmp5:
0xed: {  	(pc) =	sbr.rel @p0 .LBB2_12-.Ltmp5, $4  }
0xee: {  	_ = 	snop  }
0xef: {  	s24 =	smul.u32 $0xAAAB, s23  }
0xf0: {  	v1, _, _ =	vpop (xrf2)  }
0xf1: {  	s22 =	sadd.s32 $0x80, s22;
	s24 =	sshrl.u32 s24, $0xB;
	s23 =	sadd.s32 $0x1, s23;
	[tilespmem:v0+s14+$0x0] =	vst.idx.msk vm0, v1  }
0xf2: {  	v0 =	vld [tilespmem:s22+$0xFFFFFFE0]  }
0xf3: {  	s23 =	sand.u32 $0xFF80, s24;
	v3 =	vld [tilespmem:s22+$0xFFFFFFF0]  }
0xf4: {  	v1 =	vld [tilespmem:s23+$0x300]  }
0xf5: {  	v2 =	vld [tilespmem:s23+$0x310]  }
0xf6: {  	v5 =	vld [tilespmem:s22+$0x0]  }
0xf7: {  	v4 =	vld [tilespmem:s23+$0x320]  }
0xf8: {  	v7 =	vld [tilespmem:s22+$0x10]  }
0xf9: {  	v6 =	vld [tilespmem:s23+$0x330]  }
0xfa: {  	v0 =	vmul.f32 v0, v1;
	v59 =	vmul.f32 v3, v2;
	_ =	sdelay $0x1  }
0xfb: {  	v60 =	vmul.f32 v5, v4;
	v0 =	vadd.f32 v59, v0;
	_ =	sdelay $0x1  }
0xfc: {  	v61 =	vmul.f32 v7, v6;
	v0 =	vadd.f32 v60, v0;
	_ =	sdelay $0x1  }
0xfd: {  	v0 =	vadd.f32 v61, v0;
	_ =	sdelay $0x1  }
0xfe: {  	(xrf2) =	vadd.scan.msk.f32 $0xffff, v0;
	_ =	sdelay $0x5  }
0xff: {  	v62 =	vmov s21;
	_ =	sdelay $0x2  }
0x100: {  	s20 =	sadd.s32 $0x1, s20  }
0x101: {  	p0 =	sne.s32 s20, s7;
	v63, _, _ =	vpop (xrf2)  }
.Ltmp6:
0x102: {  	[tilespmem:v62+s14+$0x0] =	vst.idx.msk vm0, v63;
	(pc) =	sbr.rel @p0 .LBB2_1-.Ltmp6, $4  }
0x103: {  	[hbm4b:s6+s2] =	stream.linear.scatter [tilespmem:s14], [sflag:$0x3], $0x300, $0x38;
	[tilespmem:$0xC600] =	vst v63  }
0x104: {  	_ =	swait.ge [sflag:s8], $0x300  }
0x105: {  	[sflag:s8] =	ssyncset.done $0x0  }
0x106: {  	[sflag:s8] =	ssyncadd.s32 $0xFFFFFD00  }
0x107: {  	_ =	sfence.sel $0x180000  }
0x108: {  	[bflag:$0x0] =	sbarrier.arrive $0xFFFF  }
0x109: {  	p0 =	sne.s32 s0, $0x0;
	_ =	strace $0x9000004A  }
0x10a: {  	s0 =	sadd.s32 @!p0 $0x100000, s1;
	[bflag:$0x2] =	sbarrier.arrive $0xFFFF  }
0x10b: {  	[sflag:s0] =	ssyncadd.tile.s32 @!p0 $0x1;
	_ =	shalt  }
.Lfunc_end2:
_tile_overlayer_lowered:
.L_overlay_start_2:
0x10c: {  	(tag) =	ssettag $0x2  }
0x10d: {  	s0 =	rddreg [dreg:$0x0];
	s2 =	stileid.u32  }
0x10e: {  	s1 =	rddreg [dreg:$0x1];
	p0 =	sne.s32 s2, $0x0  }
0x10f: {  	s3 =	rddreg [dreg:$0x2];
	[bflag:$0x3] =	sbarrier.arrive $0xFFFF;
	s2 =	simm.s32 @!p0 $0x1C03  }
0x110: {  	[timem:s3], [sflag:s2] =	dma.local @!p0 [hbm:s0], s1  }
0x111: {  	s0 =	simm.s32 @!p0 $0x3  }
0x112: {  	_ =	swait.ge @!p0 [sflag:s0], s1  }
0x113: {  	s1 =	ssub.s32 @!p0 $0x0, s1;
	[sflag:s0] =	ssyncset.done @!p0 $0x0  }
0x114: {  	[sflag:s0] =	ssyncadd.s32 @!p0 s1  }
0x115: {  	[bflag:$0x3] =	sbarrier.arrive $0xFFFF  }
0x116: {  	_ =	shalt  }

</sc_bundles>
